<compile_context>
chip_gen: v7x
topology: tpu7x:2x2x1
jax: 0.10.2.dev20260603
libtpu: 0.0.44.dev20260713+nightly
codegen_flags: <defaults>
</compile_context>

<pallas_src>
import jax
import jax.numpy as jnp
from jax import lax
from jax.experimental import pallas as pl
from jax.experimental.pallas import tpu as pltpu
from jax.experimental.pallas import tpu_sc as plsc

VOCAB = 100000
EMBED_DIM = 128
BATCH = 4096
N_FIELDS = 26

NUM_CORES = 2
NUM_SUBCORES = 16
NUM_WORKERS = NUM_CORES * NUM_SUBCORES
TOTAL_ROWS = BATCH * N_FIELDS
ROWS_PER_WORKER = TOTAL_ROWS // NUM_WORKERS
CHUNK = 104
CHUNKS_PER_WORKER = ROWS_PER_WORKER // CHUNK
NBUF = 8


def _body(idx_hbm, table_hbm, out_hbm, idx_v, rows_v, gsem, osem):
    c = lax.axis_index("c")
    s = lax.axis_index("s")
    wid = s * NUM_CORES + c
    pltpu.sync_copy(idx_hbm.at[pl.ds(wid * ROWS_PER_WORKER, ROWS_PER_WORKER)], idx_v)
    base = wid * ROWS_PER_WORKER

    def fire_gather(chunk, b):
        pltpu.async_copy(
            table_hbm.at[idx_v.at[pl.ds(chunk * CHUNK, CHUNK)]],
            rows_v.at[b],
            gsem.at[b],
        )

    def process(chunk, b, fire_next):
        pltpu.make_async_copy(
            table_hbm.at[idx_v.at[pl.ds(chunk * CHUNK, CHUNK)]],
            rows_v.at[b],
            gsem.at[b],
        ).wait()
        cp = pltpu.make_async_copy(
            rows_v.at[b],
            out_hbm.at[pl.ds(base + chunk * CHUNK, CHUNK)],
            osem.at[b],
        )
        cp.start()
        cp.wait()
        if fire_next:
            fire_gather(chunk + NBUF, b)

    for b in range(NBUF):
        fire_gather(b, b)

    def loop_body(g, carry):
        for b in range(NBUF):
            process(g * NBUF + b, b, True)
        return carry

    n_main_groups = CHUNKS_PER_WORKER // NBUF - 1
    lax.fori_loop(0, n_main_groups, loop_body, 0)
    for b in range(NBUF):
        process((CHUNKS_PER_WORKER - NBUF) + b, b, False)


@jax.jit
def _gather(idx, table):
    mesh = plsc.VectorSubcoreMesh(
        core_axis_name="c", subcore_axis_name="s", num_cores=NUM_CORES
    )
    return pl.kernel(
        _body,
        out_type=jax.ShapeDtypeStruct((TOTAL_ROWS, EMBED_DIM), jnp.float32),
        mesh=mesh,
        compiler_params=pltpu.CompilerParams(use_tc_tiling_on_sc=True),
        scratch_types=[
            pltpu.VMEM((ROWS_PER_WORKER,), jnp.int32),
            pltpu.VMEM((NBUF, CHUNK, EMBED_DIM), jnp.float32),
            pltpu.SemaphoreType.DMA((NBUF,)),
            pltpu.SemaphoreType.DMA((NBUF,)),
        ],
    )(idx, table)


def kernel(indices, table):
    idx_t = indices.astype(jnp.int32).T.reshape(TOTAL_ROWS)
    out = _gather(idx_t, table)
    return out.reshape(N_FIELDS, BATCH, EMBED_DIM).transpose(1, 0, 2)

# --- scband reference (transcript-rebuilt; emitter-appended) ---
"""Pipeline reference for scband-tpuembedding-90572270338136 (READ-ONLY COPY).

The authoritative reference and input builder live on the scoring server;
editing this copy changes nothing except your own understanding.
"""

import jax, jax.numpy as jnp
import numpy as np

VOCAB = 100000
EMBED_DIM = 128
BATCH = 4096
N_FIELDS = 26


def setup_inputs(seed: int = 0) -> dict:
    key = jax.random.key(seed)
    k_idx, k_tbl = jax.random.split(key)
    indices = jax.random.randint(k_idx, (BATCH, N_FIELDS), 0, VOCAB, dtype=jnp.int64 if jax.config.jax_enable_x64 else jnp.int32)
    table = jax.random.normal(k_tbl, (VOCAB, EMBED_DIM), dtype=jnp.float32) * 0.05
    return {"indices": indices, "table": table}


def reference(indices, table):
    # TPUEmbedding forward: per-feature embedding lookup (gather rows of the
    # embedding table by id). Output: [batch, n_fields, embed_dim].
    return jnp.take(table, indices, axis=0)

if __name__ == "__main__":
    import jax
    _d = setup_inputs()
    print(jax.jit(kernel)(*tuple(_d.values())))

</pallas_src>

<mosaic_0001>
#map = affine_map<(d0, d1) -> (0)>
#map1 = affine_map<(d0, d1) -> (0, 0)>
module attributes {stable_mosaic.version = 14 : i64} {
  func.func @_body(%arg0: i32, %arg1: i32, %arg2: memref<106496xi32, #tpu.memory_space<hbm>>, %arg3: memref<100000x128xf32, #tpu.memory_space<hbm>>, %arg4: memref<106496x128xf32, #tpu.memory_space<hbm>>, %arg5: memref<3328xi32, #tpu.memory_space<vmem>>, %arg6: memref<8x104x128xf32, #tpu.memory_space<vmem>>, %arg7: memref<8x!tpu.dma_semaphore, #tpu.memory_space<semaphore_mem>>, %arg8: memref<8x!tpu.dma_semaphore, #tpu.memory_space<semaphore_mem>>) attributes {dimension_semantics = [#tpu.dimension_semantics<core_parallel>, #tpu.dimension_semantics<subcore_parallel>], iteration_bounds = array<i64: 2, 16>, scalar_prefetch = 0 : i64, scratch_operands = 4 : i64, tpu.core_type = #tpu.core_type<sc_vector_subcore>, window_params = [{transform_indices = #map}, {transform_indices = #map1}, {transform_indices = #map1}]} {
    %mul3A = arith.constant 2 : i32
    %mul3A_0 = arith.muli %arg1, %mul3A : i32
    %add3A = arith.addi %mul3A_0, %arg0 : i32
    %mul3A_1 = arith.constant 3328 : i32
    %mul3A_2 = arith.muli %add3A, %mul3A_1 : i32
    "tpu.region"() ({
      %run_scoped3A = tpu.sem_alloc : memref<!tpu.dma_semaphore, #tpu.memory_space<semaphore_mem>>
      %dma_start3A_488 = tpu.memref_slice %arg2[%mul3A_2] : memref<106496xi32, #tpu.memory_space<hbm>> -> memref<3328xi32, #tpu.memory_space<hbm>>
      %dma_start3A_489 = tpu.memref_slice %arg2[%mul3A_2] : memref<106496xi32, #tpu.memory_space<hbm>> -> memref<3328xi32, #tpu.memory_space<hbm>>
      tpu.enqueue_dma source(%dma_start3A_489 : memref<3328xi32, #tpu.memory_space<hbm>>) target(%arg5 : memref<3328xi32, #tpu.memory_space<vmem>>) target_semaphore(%run_scoped3A : memref<!tpu.dma_semaphore, #tpu.memory_space<semaphore_mem>>)
      %dma_wait3A_490 = tpu.memref_slice %arg2[%mul3A_2] : memref<106496xi32, #tpu.memory_space<hbm>> -> memref<3328xi32, #tpu.memory_space<hbm>>
      %dma_wait3A_491 = tpu.memref_slice %arg2[%mul3A_2] : memref<106496xi32, #tpu.memory_space<hbm>> -> memref<3328xi32, #tpu.memory_space<hbm>>
      tpu.wait_dma2 semaphore(%run_scoped3A : memref<!tpu.dma_semaphore, #tpu.memory_space<semaphore_mem>>) src(%dma_wait3A_491 : memref<3328xi32, #tpu.memory_space<hbm>>) dst(%arg5 : memref<3328xi32, #tpu.memory_space<vmem>>)
      tpu.yield
    }) : () -> ()
    %mul3A_3 = arith.constant 3328 : i32
    %mul3A_4 = arith.muli %add3A, %mul3A_3 : i32
    %dma_start3A = arith.constant 0 : i32
    %dma_start3A_5 = arith.constant 0 : i32
    %dma_start3A_6 = arith.constant 0 : i32
    %dma_start3A_7 = arith.constant 0 : i32
    %dma_start3A_8 = tpu.memref_slice %arg6[%dma_start3A, %dma_start3A_6, %dma_start3A_7] : memref<8x104x128xf32, #tpu.memory_space<vmem>> -> memref<1x104x128xf32, #tpu.memory_space<vmem>>
    %dma_start3A_9 = tpu.memref_squeeze %dma_start3A_8 : memref<1x104x128xf32, #tpu.memory_space<vmem>> -> memref<104x128xf32, #tpu.memory_space<vmem>>
    %dma_start3A_10 = arith.constant 0 : i32
    %dma_start3A_11 = tpu.memref_slice %arg5[%dma_start3A_10] : memref<3328xi32, #tpu.memory_space<vmem>> -> memref<104xi32, #tpu.memory_space<vmem>>
    %dma_start3A_12 = arith.constant 0 : i32
    %dma_start3A_13 = arith.constant 0 : i32
    %dma_start3A_14 = tpu.memref_slice %arg3[%dma_start3A_12, %dma_start3A_13] : memref<100000x128xf32, #tpu.memory_space<hbm>> -> memref<100000x128xf32, #tpu.memory_space<hbm>>
    %dma_start3A_15 = tpu.memref_slice %arg7[%dma_start3A_5] : memref<8x!tpu.dma_semaphore, #tpu.memory_space<semaphore_mem>> -> memref<1x!tpu.dma_semaphore, #tpu.memory_space<semaphore_mem>>
    %dma_start3A_16 = tpu.memref_squeeze %dma_start3A_15 : memref<1x!tpu.dma_semaphore, #tpu.memory_space<semaphore_mem>> -> memref<!tpu.dma_semaphore, #tpu.memory_space<semaphore_mem>>
    tpu.enqueue_indirect_dma source(%dma_start3A_14 : memref<100000x128xf32, #tpu.memory_space<hbm>>) target(%dma_start3A_9 : memref<104x128xf32, #tpu.memory_space<vmem>>) offsets(%dma_start3A_11 : memref<104xi32, #tpu.memory_space<vmem>>) semaphore(%dma_start3A_16 : memref<!tpu.dma_semaphore, #tpu.memory_space<semaphore_mem>>)
    %dma_start3A_17 = arith.constant 1 : i32
    %dma_start3A_18 = arith.constant 1 : i32
    %dma_start3A_19 = arith.constant 0 : i32
    %dma_start3A_20 = arith.constant 0 : i32
    %dma_start3A_21 = tpu.memref_slice %arg6[%dma_start3A_17, %dma_start3A_19, %dma_start3A_20] : memref<8x104x128xf32, #tpu.memory_space<vmem>> -> memref<1x104x128xf32, #tpu.memory_space<vmem>>
    %dma_start3A_22 = tpu.memref_squeeze %dma_start3A_21 : memref<1x104x128xf32, #tpu.memory_space<vmem>> -> memref<104x128xf32, #tpu.memory_space<vmem>>
    %dma_start3A_23 = arith.constant 104 : i32
    %dma_start3A_24 = tpu.memref_slice %arg5[%dma_start3A_23] : memref<3328xi32, #tpu.memory_space<vmem>> -> memref<104xi32, #tpu.memory_space<vmem>>
    %dma_start3A_25 = arith.constant 0 : i32
    %dma_start3A_26 = arith.constant 0 : i32
    %dma_start3A_27 = tpu.memref_slice %arg3[%dma_start3A_25, %dma_start3A_26] : memref<100000x128xf32, #tpu.memory_space<hbm>> -> memref<100000x128xf32, #tpu.memory_space<hbm>>
    %dma_start3A_28 = tpu.memref_slice %arg7[%dma_start3A_18] : memref<8x!tpu.dma_semaphore, #tpu.memory_space<semaphore_mem>> -> memref<1x!tpu.dma_semaphore, #tpu.memory_space<semaphore_mem>>
    %dma_start3A_29 = tpu.memref_squeeze %dma_start3A_28 : memref<1x!tpu.dma_semaphore, #tpu.memory_space<semaphore_mem>> -> memref<!tpu.dma_semaphore, #tpu.memory_space<semaphore_mem>>
    tpu.enqueue_indirect_dma source(%dma_start3A_27 : memref<100000x128xf32, #tpu.memory_space<hbm>>) target(%dma_start3A_22 : memref<104x128xf32, #tpu.memory_space<vmem>>) offsets(%dma_start3A_24 : memref<104xi32, #tpu.memory_space<vmem>>) semaphore(%dma_start3A_29 : memref<!tpu.dma_semaphore, #tpu.memory_space<semaphore_mem>>)
    %dma_start3A_30 = arith.constant 2 : i32
    %dma_start3A_31 = arith.constant 2 : i32
    %dma_start3A_32 = arith.constant 0 : i32
    %dma_start3A_33 = arith.constant 0 : i32
    %dma_start3A_34 = tpu.memref_slice %arg6[%dma_start3A_30, %dma_start3A_32, %dma_start3A_33] : memref<8x104x128xf32, #tpu.memory_space<vmem>> -> memref<1x104x128xf32, #tpu.memory_space<vmem>>
    %dma_start3A_35 = tpu.memref_squeeze %dma_start3A_34 : memref<1x104x128xf32, #tpu.memory_space<vmem>> -> memref<104x128xf32, #tpu.memory_space<vmem>>
    %dma_start3A_36 = arith.constant 208 : i32
    %dma_start3A_37 = tpu.memref_slice %arg5[%dma_start3A_36] : memref<3328xi32, #tpu.memory_space<vmem>> -> memref<104xi32, #tpu.memory_space<vmem>>
    %dma_start3A_38 = arith.constant 0 : i32
    %dma_start3A_39 = arith.constant 0 : i32
    %dma_start3A_40 = tpu.memref_slice %arg3[%dma_start3A_38, %dma_start3A_39] : memref<100000x128xf32, #tpu.memory_space<hbm>> -> memref<100000x128xf32, #tpu.memory_space<hbm>>
    %dma_start3A_41 = tpu.memref_slice %arg7[%dma_start3A_31] : memref<8x!tpu.dma_semaphore, #tpu.memory_space<semaphore_mem>> -> memref<1x!tpu.dma_semaphore, #tpu.memory_space<semaphore_mem>>
    %dma_start3A_42 = tpu.memref_squeeze %dma_start3A_41 : memref<1x!tpu.dma_semaphore, #tpu.memory_space<semaphore_mem>> -> memref<!tpu.dma_semaphore, #tpu.memory_space<semaphore_mem>>
    tpu.enqueue_indirect_dma source(%dma_start3A_40 : memref<100000x128xf32, #tpu.memory_space<hbm>>) target(%dma_start3A_35 : memref<104x128xf32, #tpu.memory_space<vmem>>) offsets(%dma_start3A_37 : memref<104xi32, #tpu.memory_space<vmem>>) semaphore(%dma_start3A_42 : memref<!tpu.dma_semaphore, #tpu.memory_space<semaphore_mem>>)
    %dma_start3A_43 = arith.constant 3 : i32
    %dma_start3A_44 = arith.constant 3 : i32
    %dma_start3A_45 = arith.constant 0 : i32
    %dma_start3A_46 = arith.constant 0 : i32
    %dma_start3A_47 = tpu.memref_slice %arg6[%dma_start3A_43, %dma_start3A_45, %dma_start3A_46] : memref<8x104x128xf32, #tpu.memory_space<vmem>> -> memref<1x104x128xf32, #tpu.memory_space<vmem>>
    %dma_start3A_48 = tpu.memref_squeeze %dma_start3A_47 : memref<1x104x128xf32, #tpu.memory_space<vmem>> -> memref<104x128xf32, #tpu.memory_space<vmem>>
    %dma_start3A_49 = arith.constant 312 : i32
    %dma_start3A_50 = tpu.memref_slice %arg5[%dma_start3A_49] : memref<3328xi32, #tpu.memory_space<vmem>> -> memref<104xi32, #tpu.memory_space<vmem>>
    %dma_start3A_51 = arith.constant 0 : i32
    %dma_start3A_52 = arith.constant 0 : i32
    %dma_start3A_53 = tpu.memref_slice %arg3[%dma_start3A_51, %dma_start3A_52] : memref<100000x128xf32, #tpu.memory_space<hbm>> -> memref<100000x128xf32, #tpu.memory_space<hbm>>
    %dma_start3A_54 = tpu.memref_slice %arg7[%dma_start3A_44] : memref<8x!tpu.dma_semaphore, #tpu.memory_space<semaphore_mem>> -> memref<1x!tpu.dma_semaphore, #tpu.memory_space<semaphore_mem>>
    %dma_start3A_55 = tpu.memref_squeeze %dma_start3A_54 : memref<1x!tpu.dma_semaphore, #tpu.memory_space<semaphore_mem>> -> memref<!tpu.dma_semaphore, #tpu.memory_space<semaphore_mem>>
    tpu.enqueue_indirect_dma source(%dma_start3A_53 : memref<100000x128xf32, #tpu.memory_space<hbm>>) target(%dma_start3A_48 : memref<104x128xf32, #tpu.memory_space<vmem>>) offsets(%dma_start3A_50 : memref<104xi32, #tpu.memory_space<vmem>>) semaphore(%dma_start3A_55 : memref<!tpu.dma_semaphore, #tpu.memory_space<semaphore_mem>>)
    %dma_start3A_56 = arith.constant 4 : i32
    %dma_start3A_57 = arith.constant 4 : i32
    %dma_start3A_58 = arith.constant 0 : i32
    %dma_start3A_59 = arith.constant 0 : i32
    %dma_start3A_60 = tpu.memref_slice %arg6[%dma_start3A_56, %dma_start3A_58, %dma_start3A_59] : memref<8x104x128xf32, #tpu.memory_space<vmem>> -> memref<1x104x128xf32, #tpu.memory_space<vmem>>
    %dma_start3A_61 = tpu.memref_squeeze %dma_start3A_60 : memref<1x104x128xf32, #tpu.memory_space<vmem>> -> memref<104x128xf32, #tpu.memory_space<vmem>>
    %dma_start3A_62 = arith.constant 416 : i32
    %dma_start3A_63 = tpu.memref_slice %arg5[%dma_start3A_62] : memref<3328xi32, #tpu.memory_space<vmem>> -> memref<104xi32, #tpu.memory_space<vmem>>
    %dma_start3A_64 = arith.constant 0 : i32
    %dma_start3A_65 = arith.constant 0 : i32
    %dma_start3A_66 = tpu.memref_slice %arg3[%dma_start3A_64, %dma_start3A_65] : memref<100000x128xf32, #tpu.memory_space<hbm>> -> memref<100000x128xf32, #tpu.memory_space<hbm>>
    %dma_start3A_67 = tpu.memref_slice %arg7[%dma_start3A_57] : memref<8x!tpu.dma_semaphore, #tpu.memory_space<semaphore_mem>> -> memref<1x!tpu.dma_semaphore, #tpu.memory_space<semaphore_mem>>
    %dma_start3A_68 = tpu.memref_squeeze %dma_start3A_67 : memref<1x!tpu.dma_semaphore, #tpu.memory_space<semaphore_mem>> -> memref<!tpu.dma_semaphore, #tpu.memory_space<semaphore_mem>>
    tpu.enqueue_indirect_dma source(%dma_start3A_66 : memref<100000x128xf32, #tpu.memory_space<hbm>>) target(%dma_start3A_61 : memref<104x128xf32, #tpu.memory_space<vmem>>) offsets(%dma_start3A_63 : memref<104xi32, #tpu.memory_space<vmem>>) semaphore(%dma_start3A_68 : memref<!tpu.dma_semaphore, #tpu.memory_space<semaphore_mem>>)
    %dma_start3A_69 = arith.constant 5 : i32
    %dma_start3A_70 = arith.constant 5 : i32
    %dma_start3A_71 = arith.constant 0 : i32
    %dma_start3A_72 = arith.constant 0 : i32
    %dma_start3A_73 = tpu.memref_slice %arg6[%dma_start3A_69, %dma_start3A_71, %dma_start3A_72] : memref<8x104x128xf32, #tpu.memory_space<vmem>> -> memref<1x104x128xf32, #tpu.memory_space<vmem>>
    %dma_start3A_74 = tpu.memref_squeeze %dma_start3A_73 : memref<1x104x128xf32, #tpu.memory_space<vmem>> -> memref<104x128xf32, #tpu.memory_space<vmem>>
    %dma_start3A_75 = arith.constant 520 : i32
    %dma_start3A_76 = tpu.memref_slice %arg5[%dma_start3A_75] : memref<3328xi32, #tpu.memory_space<vmem>> -> memref<104xi32, #tpu.memory_space<vmem>>
    %dma_start3A_77 = arith.constant 0 : i32
    %dma_start3A_78 = arith.constant 0 : i32
    %dma_start3A_79 = tpu.memref_slice %arg3[%dma_start3A_77, %dma_start3A_78] : memref<100000x128xf32, #tpu.memory_space<hbm>> -> memref<100000x128xf32, #tpu.memory_space<hbm>>
    %dma_start3A_80 = tpu.memref_slice %arg7[%dma_start3A_70] : memref<8x!tpu.dma_semaphore, #tpu.memory_space<semaphore_mem>> -> memref<1x!tpu.dma_semaphore, #tpu.memory_space<semaphore_mem>>
    %dma_start3A_81 = tpu.memref_squeeze %dma_start3A_80 : memref<1x!tpu.dma_semaphore, #tpu.memory_space<semaphore_mem>> -> memref<!tpu.dma_semaphore, #tpu.memory_space<semaphore_mem>>
    tpu.enqueue_indirect_dma source(%dma_start3A_79 : memref<100000x128xf32, #tpu.memory_space<hbm>>) target(%dma_start3A_74 : memref<104x128xf32, #tpu.memory_space<vmem>>) offsets(%dma_start3A_76 : memref<104xi32, #tpu.memory_space<vmem>>) semaphore(%dma_start3A_81 : memref<!tpu.dma_semaphore, #tpu.memory_space<semaphore_mem>>)
    %dma_start3A_82 = arith.constant 6 : i32
    %dma_start3A_83 = arith.constant 6 : i32
    %dma_start3A_84 = arith.constant 0 : i32
    %dma_start3A_85 = arith.constant 0 : i32
    %dma_start3A_86 = tpu.memref_slice %arg6[%dma_start3A_82, %dma_start3A_84, %dma_start3A_85] : memref<8x104x128xf32, #tpu.memory_space<vmem>> -> memref<1x104x128xf32, #tpu.memory_space<vmem>>
    %dma_start3A_87 = tpu.memref_squeeze %dma_start3A_86 : memref<1x104x128xf32, #tpu.memory_space<vmem>> -> memref<104x128xf32, #tpu.memory_space<vmem>>
    %dma_start3A_88 = arith.constant 624 : i32
    %dma_start3A_89 = tpu.memref_slice %arg5[%dma_start3A_88] : memref<3328xi32, #tpu.memory_space<vmem>> -> memref<104xi32, #tpu.memory_space<vmem>>
    %dma_start3A_90 = arith.constant 0 : i32
    %dma_start3A_91 = arith.constant 0 : i32
    %dma_start3A_92 = tpu.memref_slice %arg3[%dma_start3A_90, %dma_start3A_91] : memref<100000x128xf32, #tpu.memory_space<hbm>> -> memref<100000x128xf32, #tpu.memory_space<hbm>>
    %dma_start3A_93 = tpu.memref_slice %arg7[%dma_start3A_83] : memref<8x!tpu.dma_semaphore, #tpu.memory_space<semaphore_mem>> -> memref<1x!tpu.dma_semaphore, #tpu.memory_space<semaphore_mem>>
    %dma_start3A_94 = tpu.memref_squeeze %dma_start3A_93 : memref<1x!tpu.dma_semaphore, #tpu.memory_space<semaphore_mem>> -> memref<!tpu.dma_semaphore, #tpu.memory_space<semaphore_mem>>
    tpu.enqueue_indirect_dma source(%dma_start3A_92 : memref<100000x128xf32, #tpu.memory_space<hbm>>) target(%dma_start3A_87 : memref<104x128xf32, #tpu.memory_space<vmem>>) offsets(%dma_start3A_89 : memref<104xi32, #tpu.memory_space<vmem>>) semaphore(%dma_start3A_94 : memref<!tpu.dma_semaphore, #tpu.memory_space<semaphore_mem>>)
    %dma_start3A_95 = arith.constant 7 : i32
    %dma_start3A_96 = arith.constant 7 : i32
    %dma_start3A_97 = arith.constant 0 : i32
    %dma_start3A_98 = arith.constant 0 : i32
    %dma_start3A_99 = tpu.memref_slice %arg6[%dma_start3A_95, %dma_start3A_97, %dma_start3A_98] : memref<8x104x128xf32, #tpu.memory_space<vmem>> -> memref<1x104x128xf32, #tpu.memory_space<vmem>>
    %dma_start3A_100 = tpu.memref_squeeze %dma_start3A_99 : memref<1x104x128xf32, #tpu.memory_space<vmem>> -> memref<104x128xf32, #tpu.memory_space<vmem>>
    %dma_start3A_101 = arith.constant 728 : i32
    %dma_start3A_102 = tpu.memref_slice %arg5[%dma_start3A_101] : memref<3328xi32, #tpu.memory_space<vmem>> -> memref<104xi32, #tpu.memory_space<vmem>>
    %dma_start3A_103 = arith.constant 0 : i32
    %dma_start3A_104 = arith.constant 0 : i32
    %dma_start3A_105 = tpu.memref_slice %arg3[%dma_start3A_103, %dma_start3A_104] : memref<100000x128xf32, #tpu.memory_space<hbm>> -> memref<100000x128xf32, #tpu.memory_space<hbm>>
    %dma_start3A_106 = tpu.memref_slice %arg7[%dma_start3A_96] : memref<8x!tpu.dma_semaphore, #tpu.memory_space<semaphore_mem>> -> memref<1x!tpu.dma_semaphore, #tpu.memory_space<semaphore_mem>>
    %dma_start3A_107 = tpu.memref_squeeze %dma_start3A_106 : memref<1x!tpu.dma_semaphore, #tpu.memory_space<semaphore_mem>> -> memref<!tpu.dma_semaphore, #tpu.memory_space<semaphore_mem>>
    tpu.enqueue_indirect_dma source(%dma_start3A_105 : memref<100000x128xf32, #tpu.memory_space<hbm>>) target(%dma_start3A_100 : memref<104x128xf32, #tpu.memory_space<vmem>>) offsets(%dma_start3A_102 : memref<104xi32, #tpu.memory_space<vmem>>) semaphore(%dma_start3A_107 : memref<!tpu.dma_semaphore, #tpu.memory_space<semaphore_mem>>)
    %scan3A = arith.constant 0 : i32
    %scan3A_108 = arith.constant 0 : i32
    %scan3A_109 = arith.constant 3 : i32
    %scan3A_110 = arith.addi %scan3A_108, %scan3A_109 : i32
    %scan3A_111 = arith.constant 1 : i32
    scf.for %scan3A_488 = %scan3A_108 to %scan3A_110 step %scan3A_111  : i32 {
      %mul3A_489 = arith.constant 8 : i32
      %mul3A_490 = arith.muli %scan3A_488, %mul3A_489 : i32
      %add3A_491 = arith.constant 0 : i32
      %add3A_492 = arith.addi %mul3A_490, %add3A_491 : i32
      %mul3A_493 = arith.constant 104 : i32
      %mul3A_494 = arith.muli %add3A_492, %mul3A_493 : i32
      %dma_wait3A_495 = arith.constant 0 : i32
      %dma_wait3A_496 = arith.constant 0 : i32
      %dma_wait3A_497 = arith.constant 0 : i32
      %dma_wait3A_498 = arith.constant 0 : i32
      %dma_wait3A_499 = tpu.memref_slice %arg6[%dma_wait3A_495, %dma_wait3A_497, %dma_wait3A_498] : memref<8x104x128xf32, #tpu.memory_space<vmem>> -> memref<1x104x128xf32, #tpu.memory_space<vmem>>
      %dma_wait3A_500 = tpu.memref_squeeze %dma_wait3A_499 : memref<1x104x128xf32, #tpu.memory_space<vmem>> -> memref<104x128xf32, #tpu.memory_space<vmem>>
      %dma_wait3A_501 = tpu.memref_slice %arg5[%mul3A_494] : memref<3328xi32, #tpu.memory_space<vmem>> -> memref<104xi32, #tpu.memory_space<vmem>>
      %dma_wait3A_502 = arith.constant 0 : i32
      %dma_wait3A_503 = arith.constant 0 : i32
      %dma_wait3A_504 = tpu.memref_slice %arg3[%dma_wait3A_502, %dma_wait3A_503] : memref<100000x128xf32, #tpu.memory_space<hbm>> -> memref<100000x128xf32, #tpu.memory_space<hbm>>
      %dma_wait3A_505 = tpu.memref_slice %arg7[%dma_wait3A_496] : memref<8x!tpu.dma_semaphore, #tpu.memory_space<semaphore_mem>> -> memref<1x!tpu.dma_semaphore, #tpu.memory_space<semaphore_mem>>
      %dma_wait3A_506 = tpu.memref_squeeze %dma_wait3A_505 : memref<1x!tpu.dma_semaphore, #tpu.memory_space<semaphore_mem>> -> memref<!tpu.dma_semaphore, #tpu.memory_space<semaphore_mem>>
      tpu.wait_indirect_dma semaphore(%dma_wait3A_506 : memref<!tpu.dma_semaphore, #tpu.memory_space<semaphore_mem>>) src(%dma_wait3A_504 : memref<100000x128xf32, #tpu.memory_space<hbm>>) dst(%dma_wait3A_500 : memref<104x128xf32, #tpu.memory_space<vmem>>)
      %mul3A_507 = arith.constant 104 : i32
      %mul3A_508 = arith.muli %add3A_492, %mul3A_507 : i32
      %add3A_509 = arith.addi %mul3A_4, %mul3A_508 : i32
      %dma_start3A_510 = arith.constant 0 : i32
      %dma_start3A_511 = arith.constant 0 : i32
      %dma_start3A_512 = arith.constant 0 : i32
      %dma_start3A_513 = arith.constant 0 : i32
      %dma_start3A_514 = tpu.memref_slice %arg6[%dma_start3A_510, %dma_start3A_512, %dma_start3A_513] : memref<8x104x128xf32, #tpu.memory_space<vmem>> -> memref<1x104x128xf32, #tpu.memory_space<vmem>>
      %dma_start3A_515 = tpu.memref_squeeze %dma_start3A_514 : memref<1x104x128xf32, #tpu.memory_space<vmem>> -> memref<104x128xf32, #tpu.memory_space<vmem>>
      %dma_start3A_516 = arith.constant 0 : i32
      %dma_start3A_517 = tpu.memref_slice %arg4[%add3A_509, %dma_start3A_516] : memref<106496x128xf32, #tpu.memory_space<hbm>> -> memref<104x128xf32, #tpu.memory_space<hbm>>
      %dma_start3A_518 = tpu.memref_slice %arg8[%dma_start3A_511] : memref<8x!tpu.dma_semaphore, #tpu.memory_space<semaphore_mem>> -> memref<1x!tpu.dma_semaphore, #tpu.memory_space<semaphore_mem>>
      %dma_start3A_519 = tpu.memref_squeeze %dma_start3A_518 : memref<1x!tpu.dma_semaphore, #tpu.memory_space<semaphore_mem>> -> memref<!tpu.dma_semaphore, #tpu.memory_space<semaphore_mem>>
      %dma_start3A_520 = arith.constant 0 : i32
      %dma_start3A_521 = tpu.memref_slice %arg4[%add3A_509, %dma_start3A_520] : memref<106496x128xf32, #tpu.memory_space<hbm>> -> memref<104x128xf32, #tpu.memory_space<hbm>>
      %dma_start3A_522 = arith.constant 0 : i32
      %dma_start3A_523 = arith.constant 0 : i32
      %dma_start3A_524 = tpu.memref_slice %arg6[%dma_start3A_510, %dma_start3A_522, %dma_start3A_523] : memref<8x104x128xf32, #tpu.memory_space<vmem>> -> memref<1x104x128xf32, #tpu.memory_space<vmem>>
      %dma_start3A_525 = tpu.memref_squeeze %dma_start3A_524 : memref<1x104x128xf32, #tpu.memory_space<vmem>> -> memref<104x128xf32, #tpu.memory_space<vmem>>
      tpu.enqueue_dma source(%dma_start3A_525 : memref<104x128xf32, #tpu.memory_space<vmem>>) target(%dma_start3A_521 : memref<104x128xf32, #tpu.memory_space<hbm>>) target_semaphore(%dma_start3A_519 : memref<!tpu.dma_semaphore, #tpu.memory_space<semaphore_mem>>)
      %dma_wait3A_526 = arith.constant 0 : i32
      %dma_wait3A_527 = arith.constant 0 : i32
      %dma_wait3A_528 = arith.constant 0 : i32
      %dma_wait3A_529 = arith.constant 0 : i32
      %dma_wait3A_530 = tpu.memref_slice %arg6[%dma_wait3A_526, %dma_wait3A_528, %dma_wait3A_529] : memref<8x104x128xf32, #tpu.memory_space<vmem>> -> memref<1x104x128xf32, #tpu.memory_space<vmem>>
      %dma_wait3A_531 = tpu.memref_squeeze %dma_wait3A_530 : memref<1x104x128xf32, #tpu.memory_space<vmem>> -> memref<104x128xf32, #tpu.memory_space<vmem>>
      %dma_wait3A_532 = arith.constant 0 : i32
      %dma_wait3A_533 = tpu.memref_slice %arg4[%add3A_509, %dma_wait3A_532] : memref<106496x128xf32, #tpu.memory_space<hbm>> -> memref<104x128xf32, #tpu.memory_space<hbm>>
      %dma_wait3A_534 = tpu.memref_slice %arg8[%dma_wait3A_527] : memref<8x!tpu.dma_semaphore, #tpu.memory_space<semaphore_mem>> -> memref<1x!tpu.dma_semaphore, #tpu.memory_space<semaphore_mem>>
      %dma_wait3A_535 = tpu.memref_squeeze %dma_wait3A_534 : memref<1x!tpu.dma_semaphore, #tpu.memory_space<semaphore_mem>> -> memref<!tpu.dma_semaphore, #tpu.memory_space<semaphore_mem>>
      %dma_wait3A_536 = arith.constant 0 : i32
      %dma_wait3A_537 = tpu.memref_slice %arg4[%add3A_509, %dma_wait3A_536] : memref<106496x128xf32, #tpu.memory_space<hbm>> -> memref<104x128xf32, #tpu.memory_space<hbm>>
      %dma_wait3A_538 = arith.constant 0 : i32
      %dma_wait3A_539 = arith.constant 0 : i32
      %dma_wait3A_540 = tpu.memref_slice %arg6[%dma_wait3A_526, %dma_wait3A_538, %dma_wait3A_539] : memref<8x104x128xf32, #tpu.memory_space<vmem>> -> memref<1x104x128xf32, #tpu.memory_space<vmem>>
      %dma_wait3A_541 = tpu.memref_squeeze %dma_wait3A_540 : memref<1x104x128xf32, #tpu.memory_space<vmem>> -> memref<104x128xf32, #tpu.memory_space<vmem>>
      tpu.wait_dma2 semaphore(%dma_wait3A_535 : memref<!tpu.dma_semaphore, #tpu.memory_space<semaphore_mem>>) src(%dma_wait3A_541 : memref<104x128xf32, #tpu.memory_space<vmem>>) dst(%dma_wait3A_537 : memref<104x128xf32, #tpu.memory_space<hbm>>)
      %add3A_542 = arith.constant 8 : i32
      %add3A_543 = arith.addi %add3A_492, %add3A_542 : i32
      %mul3A_544 = arith.constant 104 : i32
      %mul3A_545 = arith.muli %add3A_543, %mul3A_544 : i32
      %dma_start3A_546 = arith.constant 0 : i32
      %dma_start3A_547 = arith.constant 0 : i32
      %dma_start3A_548 = arith.constant 0 : i32
      %dma_start3A_549 = arith.constant 0 : i32
      %dma_start3A_550 = tpu.memref_slice %arg6[%dma_start3A_546, %dma_start3A_548, %dma_start3A_549] : memref<8x104x128xf32, #tpu.memory_space<vmem>> -> memref<1x104x128xf32, #tpu.memory_space<vmem>>
      %dma_start3A_551 = tpu.memref_squeeze %dma_start3A_550 : memref<1x104x128xf32, #tpu.memory_space<vmem>> -> memref<104x128xf32, #tpu.memory_space<vmem>>
      %dma_start3A_552 = tpu.memref_slice %arg5[%mul3A_545] : memref<3328xi32, #tpu.memory_space<vmem>> -> memref<104xi32, #tpu.memory_space<vmem>>
      %dma_start3A_553 = arith.constant 0 : i32
      %dma_start3A_554 = arith.constant 0 : i32
      %dma_start3A_555 = tpu.memref_slice %arg3[%dma_start3A_553, %dma_start3A_554] : memref<100000x128xf32, #tpu.memory_space<hbm>> -> memref<100000x128xf32, #tpu.memory_space<hbm>>
      %dma_start3A_556 = tpu.memref_slice %arg7[%dma_start3A_547] : memref<8x!tpu.dma_semaphore, #tpu.memory_space<semaphore_mem>> -> memref<1x!tpu.dma_semaphore, #tpu.memory_space<semaphore_mem>>
      %dma_start3A_557 = tpu.memref_squeeze %dma_start3A_556 : memref<1x!tpu.dma_semaphore, #tpu.memory_space<semaphore_mem>> -> memref<!tpu.dma_semaphore, #tpu.memory_space<semaphore_mem>>
      tpu.enqueue_indirect_dma source(%dma_start3A_555 : memref<100000x128xf32, #tpu.memory_space<hbm>>) target(%dma_start3A_551 : memref<104x128xf32, #tpu.memory_space<vmem>>) offsets(%dma_start3A_552 : memref<104xi32, #tpu.memory_space<vmem>>) semaphore(%dma_start3A_557 : memref<!tpu.dma_semaphore, #tpu.memory_space<semaphore_mem>>)
      %mul3A_558 = arith.constant 8 : i32
      %mul3A_559 = arith.muli %scan3A_488, %mul3A_558 : i32
      %add3A_560 = arith.constant 1 : i32
      %add3A_561 = arith.addi %mul3A_559, %add3A_560 : i32
      %mul3A_562 = arith.constant 104 : i32
      %mul3A_563 = arith.muli %add3A_561, %mul3A_562 : i32
      %dma_wait3A_564 = arith.constant 1 : i32
      %dma_wait3A_565 = arith.constant 1 : i32
      %dma_wait3A_566 = arith.constant 0 : i32
      %dma_wait3A_567 = arith.constant 0 : i32
      %dma_wait3A_568 = tpu.memref_slice %arg6[%dma_wait3A_564, %dma_wait3A_566, %dma_wait3A_567] : memref<8x104x128xf32, #tpu.memory_space<vmem>> -> memref<1x104x128xf32, #tpu.memory_space<vmem>>
      %dma_wait3A_569 = tpu.memref_squeeze %dma_wait3A_568 : memref<1x104x128xf32, #tpu.memory_space<vmem>> -> memref<104x128xf32, #tpu.memory_space<vmem>>
      %dma_wait3A_570 = tpu.memref_slice %arg5[%mul3A_563] : memref<3328xi32, #tpu.memory_space<vmem>> -> memref<104xi32, #tpu.memory_space<vmem>>
      %dma_wait3A_571 = arith.constant 0 : i32
      %dma_wait3A_572 = arith.constant 0 : i32
      %dma_wait3A_573 = tpu.memref_slice %arg3[%dma_wait3A_571, %dma_wait3A_572] : memref<100000x128xf32, #tpu.memory_space<hbm>> -> memref<100000x128xf32, #tpu.memory_space<hbm>>
      %dma_wait3A_574 = tpu.memref_slice %arg7[%dma_wait3A_565] : memref<8x!tpu.dma_semaphore, #tpu.memory_space<semaphore_mem>> -> memref<1x!tpu.dma_semaphore, #tpu.memory_space<semaphore_mem>>
      %dma_wait3A_575 = tpu.memref_squeeze %dma_wait3A_574 : memref<1x!tpu.dma_semaphore, #tpu.memory_space<semaphore_mem>> -> memref<!tpu.dma_semaphore, #tpu.memory_space<semaphore_mem>>
      tpu.wait_indirect_dma semaphore(%dma_wait3A_575 : memref<!tpu.dma_semaphore, #tpu.memory_space<semaphore_mem>>) src(%dma_wait3A_573 : memref<100000x128xf32, #tpu.memory_space<hbm>>) dst(%dma_wait3A_569 : memref<104x128xf32, #tpu.memory_space<vmem>>)
      %mul3A_576 = arith.constant 104 : i32
      %mul3A_577 = arith.muli %add3A_561, %mul3A_576 : i32
      %add3A_578 = arith.addi %mul3A_4, %mul3A_577 : i32
      %dma_start3A_579 = arith.constant 1 : i32
      %dma_start3A_580 = arith.constant 1 : i32
      %dma_start3A_581 = arith.constant 0 : i32
      %dma_start3A_582 = arith.constant 0 : i32
      %dma_start3A_583 = tpu.memref_slice %arg6[%dma_start3A_579, %dma_start3A_581, %dma_start3A_582] : memref<8x104x128xf32, #tpu.memory_space<vmem>> -> memref<1x104x128xf32, #tpu.memory_space<vmem>>
      %dma_start3A_584 = tpu.memref_squeeze %dma_start3A_583 : memref<1x104x128xf32, #tpu.memory_space<vmem>> -> memref<104x128xf32, #tpu.memory_space<vmem>>
      %dma_start3A_585 = arith.constant 0 : i32
      %dma_start3A_586 = tpu.memref_slice %arg4[%add3A_578, %dma_start3A_585] : memref<106496x128xf32, #tpu.memory_space<hbm>> -> memref<104x128xf32, #tpu.memory_space<hbm>>
      %dma_start3A_587 = tpu.memref_slice %arg8[%dma_start3A_580] : memref<8x!tpu.dma_semaphore, #tpu.memory_space<semaphore_mem>> -> memref<1x!tpu.dma_semaphore, #tpu.memory_space<semaphore_mem>>
      %dma_start3A_588 = tpu.memref_squeeze %dma_start3A_587 : memref<1x!tpu.dma_semaphore, #tpu.memory_space<semaphore_mem>> -> memref<!tpu.dma_semaphore, #tpu.memory_space<semaphore_mem>>
      %dma_start3A_589 = arith.constant 0 : i32
      %dma_start3A_590 = tpu.memref_slice %arg4[%add3A_578, %dma_start3A_589] : memref<106496x128xf32, #tpu.memory_space<hbm>> -> memref<104x128xf32, #tpu.memory_space<hbm>>
      %dma_start3A_591 = arith.constant 0 : i32
      %dma_start3A_592 = arith.constant 0 : i32
      %dma_start3A_593 = tpu.memref_slice %arg6[%dma_start3A_579, %dma_start3A_591, %dma_start3A_592] : memref<8x104x128xf32, #tpu.memory_space<vmem>> -> memref<1x104x128xf32, #tpu.memory_space<vmem>>
      %dma_start3A_594 = tpu.memref_squeeze %dma_start3A_593 : memref<1x104x128xf32, #tpu.memory_space<vmem>> -> memref<104x128xf32, #tpu.memory_space<vmem>>
      tpu.enqueue_dma source(%dma_start3A_594 : memref<104x128xf32, #tpu.memory_space<vmem>>) target(%dma_start3A_590 : memref<104x128xf32, #tpu.memory_space<hbm>>) target_semaphore(%dma_start3A_588 : memref<!tpu.dma_semaphore, #tpu.memory_space<semaphore_mem>>)
      %dma_wait3A_595 = arith.constant 1 : i32
      %dma_wait3A_596 = arith.constant 1 : i32
      %dma_wait3A_597 = arith.constant 0 : i32
      %dma_wait3A_598 = arith.constant 0 : i32
      %dma_wait3A_599 = tpu.memref_slice %arg6[%dma_wait3A_595, %dma_wait3A_597, %dma_wait3A_598] : memref<8x104x128xf32, #tpu.memory_space<vmem>> -> memref<1x104x128xf32, #tpu.memory_space<vmem>>
      %dma_wait3A_600 = tpu.memref_squeeze %dma_wait3A_599 : memref<1x104x128xf32, #tpu.memory_space<vmem>> -> memref<104x128xf32, #tpu.memory_space<vmem>>
      %dma_wait3A_601 = arith.constant 0 : i32
      %dma_wait3A_602 = tpu.memref_slice %arg4[%add3A_578, %dma_wait3A_601] : memref<106496x128xf32, #tpu.memory_space<hbm>> -> memref<104x128xf32, #tpu.memory_space<hbm>>
      %dma_wait3A_603 = tpu.memref_slice %arg8[%dma_wait3A_596] : memref<8x!tpu.dma_semaphore, #tpu.memory_space<semaphore_mem>> -> memref<1x!tpu.dma_semaphore, #tpu.memory_space<semaphore_mem>>
      %dma_wait3A_604 = tpu.memref_squeeze %dma_wait3A_603 : memref<1x!tpu.dma_semaphore, #tpu.memory_space<semaphore_mem>> -> memref<!tpu.dma_semaphore, #tpu.memory_space<semaphore_mem>>
      %dma_wait3A_605 = arith.constant 0 : i32
      %dma_wait3A_606 = tpu.memref_slice %arg4[%add3A_578, %dma_wait3A_605] : memref<106496x128xf32, #tpu.memory_space<hbm>> -> memref<104x128xf32, #tpu.memory_space<hbm>>
      %dma_wait3A_607 = arith.constant 0 : i32
      %dma_wait3A_608 = arith.constant 0 : i32
      %dma_wait3A_609 = tpu.memref_slice %arg6[%dma_wait3A_595, %dma_wait3A_607, %dma_wait3A_608] : memref<8x104x128xf32, #tpu.memory_space<vmem>> -> memref<1x104x128xf32, #tpu.memory_space<vmem>>
      %dma_wait3A_610 = tpu.memref_squeeze %dma_wait3A_609 : memref<1x104x128xf32, #tpu.memory_space<vmem>> -> memref<104x128xf32, #tpu.memory_space<vmem>>
      tpu.wait_dma2 semaphore(%dma_wait3A_604 : memref<!tpu.dma_semaphore, #tpu.memory_space<semaphore_mem>>) src(%dma_wait3A_610 : memref<104x128xf32, #tpu.memory_space<vmem>>) dst(%dma_wait3A_606 : memref<104x128xf32, #tpu.memory_space<hbm>>)
      %add3A_611 = arith.constant 8 : i32
      %add3A_612 = arith.addi %add3A_561, %add3A_611 : i32
      %mul3A_613 = arith.constant 104 : i32
      %mul3A_614 = arith.muli %add3A_612, %mul3A_613 : i32
      %dma_start3A_615 = arith.constant 1 : i32
      %dma_start3A_616 = arith.constant 1 : i32
      %dma_start3A_617 = arith.constant 0 : i32
      %dma_start3A_618 = arith.constant 0 : i32
      %dma_start3A_619 = tpu.memref_slice %arg6[%dma_start3A_615, %dma_start3A_617, %dma_start3A_618] : memref<8x104x128xf32, #tpu.memory_space<vmem>> -> memref<1x104x128xf32, #tpu.memory_space<vmem>>
      %dma_start3A_620 = tpu.memref_squeeze %dma_start3A_619 : memref<1x104x128xf32, #tpu.memory_space<vmem>> -> memref<104x128xf32, #tpu.memory_space<vmem>>
      %dma_start3A_621 = tpu.memref_slice %arg5[%mul3A_614] : memref<3328xi32, #tpu.memory_space<vmem>> -> memref<104xi32, #tpu.memory_space<vmem>>
      %dma_start3A_622 = arith.constant 0 : i32
      %dma_start3A_623 = arith.constant 0 : i32
      %dma_start3A_624 = tpu.memref_slice %arg3[%dma_start3A_622, %dma_start3A_623] : memref<100000x128xf32, #tpu.memory_space<hbm>> -> memref<100000x128xf32, #tpu.memory_space<hbm>>
      %dma_start3A_625 = tpu.memref_slice %arg7[%dma_start3A_616] : memref<8x!tpu.dma_semaphore, #tpu.memory_space<semaphore_mem>> -> memref<1x!tpu.dma_semaphore, #tpu.memory_space<semaphore_mem>>
      %dma_start3A_626 = tpu.memref_squeeze %dma_start3A_625 : memref<1x!tpu.dma_semaphore, #tpu.memory_space<semaphore_mem>> -> memref<!tpu.dma_semaphore, #tpu.memory_space<semaphore_mem>>
      tpu.enqueue_indirect_dma source(%dma_start3A_624 : memref<100000x128xf32, #tpu.memory_space<hbm>>) target(%dma_start3A_620 : memref<104x128xf32, #tpu.memory_space<vmem>>) offsets(%dma_start3A_621 : memref<104xi32, #tpu.memory_space<vmem>>) semaphore(%dma_start3A_626 : memref<!tpu.dma_semaphore, #tpu.memory_space<semaphore_mem>>)
      %mul3A_627 = arith.constant 8 : i32
      %mul3A_628 = arith.muli %scan3A_488, %mul3A_627 : i32
      %add3A_629 = arith.constant 2 : i32
      %add3A_630 = arith.addi %mul3A_628, %add3A_629 : i32
      %mul3A_631 = arith.constant 104 : i32
      %mul3A_632 = arith.muli %add3A_630, %mul3A_631 : i32
      %dma_wait3A_633 = arith.constant 2 : i32
      %dma_wait3A_634 = arith.constant 2 : i32
      %dma_wait3A_635 = arith.constant 0 : i32
      %dma_wait3A_636 = arith.constant 0 : i32
      %dma_wait3A_637 = tpu.memref_slice %arg6[%dma_wait3A_633, %dma_wait3A_635, %dma_wait3A_636] : memref<8x104x128xf32, #tpu.memory_space<vmem>> -> memref<1x104x128xf32, #tpu.memory_space<vmem>>
      %dma_wait3A_638 = tpu.memref_squeeze %dma_wait3A_637 : memref<1x104x128xf32, #tpu.memory_space<vmem>> -> memref<104x128xf32, #tpu.memory_space<vmem>>
      %dma_wait3A_639 = tpu.memref_slice %arg5[%mul3A_632] : memref<3328xi32, #tpu.memory_space<vmem>> -> memref<104xi32, #tpu.memory_space<vmem>>
      %dma_wait3A_640 = arith.constant 0 : i32
      %dma_wait3A_641 = arith.constant 0 : i32
      %dma_wait3A_642 = tpu.memref_slice %arg3[%dma_wait3A_640, %dma_wait3A_641] : memref<100000x128xf32, #tpu.memory_space<hbm>> -> memref<100000x128xf32, #tpu.memory_space<hbm>>
      %dma_wait3A_643 = tpu.memref_slice %arg7[%dma_wait3A_634] : memref<8x!tpu.dma_semaphore, #tpu.memory_space<semaphore_mem>> -> memref<1x!tpu.dma_semaphore, #tpu.memory_space<semaphore_mem>>
      %dma_wait3A_644 = tpu.memref_squeeze %dma_wait3A_643 : memref<1x!tpu.dma_semaphore, #tpu.memory_space<semaphore_mem>> -> memref<!tpu.dma_semaphore, #tpu.memory_space<semaphore_mem>>
      tpu.wait_indirect_dma semaphore(%dma_wait3A_644 : memref<!tpu.dma_semaphore, #tpu.memory_space<semaphore_mem>>) src(%dma_wait3A_642 : memref<100000x128xf32, #tpu.memory_space<hbm>>) dst(%dma_wait3A_638 : memref<104x128xf32, #tpu.memory_space<vmem>>)
      %mul3A_645 = arith.constant 104 : i32
      %mul3A_646 = arith.muli %add3A_630, %mul3A_645 : i32
      %add3A_647 = arith.addi %mul3A_4, %mul3A_646 : i32
      %dma_start3A_648 = arith.constant 2 : i32
      %dma_start3A_649 = arith.constant 2 : i32
      %dma_start3A_650 = arith.constant 0 : i32
      %dma_start3A_651 = arith.constant 0 : i32
      %dma_start3A_652 = tpu.memref_slice %arg6[%dma_start3A_648, %dma_start3A_650, %dma_start3A_651] : memref<8x104x128xf32, #tpu.memory_space<vmem>> -> memref<1x104x128xf32, #tpu.memory_space<vmem>>
      %dma_start3A_653 = tpu.memref_squeeze %dma_start3A_652 : memref<1x104x128xf32, #tpu.memory_space<vmem>> -> memref<104x128xf32, #tpu.memory_space<vmem>>
      %dma_start3A_654 = arith.constant 0 : i32
      %dma_start3A_655 = tpu.memref_slice %arg4[%add3A_647, %dma_start3A_654] : memref<106496x128xf32, #tpu.memory_space<hbm>> -> memref<104x128xf32, #tpu.memory_space<hbm>>
      %dma_start3A_656 = tpu.memref_slice %arg8[%dma_start3A_649] : memref<8x!tpu.dma_semaphore, #tpu.memory_space<semaphore_mem>> -> memref<1x!tpu.dma_semaphore, #tpu.memory_space<semaphore_mem>>
      %dma_start3A_657 = tpu.memref_squeeze %dma_start3A_656 : memref<1x!tpu.dma_semaphore, #tpu.memory_space<semaphore_mem>> -> memref<!tpu.dma_semaphore, #tpu.memory_space<semaphore_mem>>
      %dma_start3A_658 = arith.constant 0 : i32
      %dma_start3A_659 = tpu.memref_slice %arg4[%add3A_647, %dma_start3A_658] : memref<106496x128xf32, #tpu.memory_space<hbm>> -> memref<104x128xf32, #tpu.memory_space<hbm>>
      %dma_start3A_660 = arith.constant 0 : i32
      %dma_start3A_661 = arith.constant 0 : i32
      %dma_start3A_662 = tpu.memref_slice %arg6[%dma_start3A_648, %dma_start3A_660, %dma_start3A_661] : memref<8x104x128xf32, #tpu.memory_space<vmem>> -> memref<1x104x128xf32, #tpu.memory_space<vmem>>
      %dma_start3A_663 = tpu.memref_squeeze %dma_start3A_662 : memref<1x104x128xf32, #tpu.memory_space<vmem>> -> memref<104x128xf32, #tpu.memory_space<vmem>>
      tpu.enqueue_dma source(%dma_start3A_663 : memref<104x128xf32, #tpu.memory_space<vmem>>) target(%dma_start3A_659 : memref<104x128xf32, #tpu.memory_space<hbm>>) target_semaphore(%dma_start3A_657 : memref<!tpu.dma_semaphore, #tpu.memory_space<semaphore_mem>>)
      %dma_wait3A_664 = arith.constant 2 : i32
      %dma_wait3A_665 = arith.constant 2 : i32
      %dma_wait3A_666 = arith.constant 0 : i32
      %dma_wait3A_667 = arith.constant 0 : i32
      %dma_wait3A_668 = tpu.memref_slice %arg6[%dma_wait3A_664, %dma_wait3A_666, %dma_wait3A_667] : memref<8x104x128xf32, #tpu.memory_space<vmem>> -> memref<1x104x128xf32, #tpu.memory_space<vmem>>
      %dma_wait3A_669 = tpu.memref_squeeze %dma_wait3A_668 : memref<1x104x128xf32, #tpu.memory_space<vmem>> -> memref<104x128xf32, #tpu.memory_space<vmem>>
      %dma_wait3A_670 = arith.constant 0 : i32
      %dma_wait3A_671 = tpu.memref_slice %arg4[%add3A_647, %dma_wait3A_670] : memref<106496x128xf32, #tpu.memory_space<hbm>> -> memref<104x128xf32, #tpu.memory_space<hbm>>
      %dma_wait3A_672 = tpu.memref_slice %arg8[%dma_wait3A_665] : memref<8x!tpu.dma_semaphore, #tpu.memory_space<semaphore_mem>> -> memref<1x!tpu.dma_semaphore, #tpu.memory_space<semaphore_mem>>
      %dma_wait3A_673 = tpu.memref_squeeze %dma_wait3A_672 : memref<1x!tpu.dma_semaphore, #tpu.memory_space<semaphore_mem>> -> memref<!tpu.dma_semaphore, #tpu.memory_space<semaphore_mem>>
      %dma_wait3A_674 = arith.constant 0 : i32
      %dma_wait3A_675 = tpu.memref_slice %arg4[%add3A_647, %dma_wait3A_674] : memref<106496x128xf32, #tpu.memory_space<hbm>> -> memref<104x128xf32, #tpu.memory_space<hbm>>
      %dma_wait3A_676 = arith.constant 0 : i32
      %dma_wait3A_677 = arith.constant 0 : i32
      %dma_wait3A_678 = tpu.memref_slice %arg6[%dma_wait3A_664, %dma_wait3A_676, %dma_wait3A_677] : memref<8x104x128xf32, #tpu.memory_space<vmem>> -> memref<1x104x128xf32, #tpu.memory_space<vmem>>
      %dma_wait3A_679 = tpu.memref_squeeze %dma_wait3A_678 : memref<1x104x128xf32, #tpu.memory_space<vmem>> -> memref<104x128xf32, #tpu.memory_space<vmem>>
      tpu.wait_dma2 semaphore(%dma_wait3A_673 : memref<!tpu.dma_semaphore, #tpu.memory_space<semaphore_mem>>) src(%dma_wait3A_679 : memref<104x128xf32, #tpu.memory_space<vmem>>) dst(%dma_wait3A_675 : memref<104x128xf32, #tpu.memory_space<hbm>>)
      %add3A_680 = arith.constant 8 : i32
      %add3A_681 = arith.addi %add3A_630, %add3A_680 : i32
      %mul3A_682 = arith.constant 104 : i32
      %mul3A_683 = arith.muli %add3A_681, %mul3A_682 : i32
      %dma_start3A_684 = arith.constant 2 : i32
      %dma_start3A_685 = arith.constant 2 : i32
      %dma_start3A_686 = arith.constant 0 : i32
      %dma_start3A_687 = arith.constant 0 : i32
      %dma_start3A_688 = tpu.memref_slice %arg6[%dma_start3A_684, %dma_start3A_686, %dma_start3A_687] : memref<8x104x128xf32, #tpu.memory_space<vmem>> -> memref<1x104x128xf32, #tpu.memory_space<vmem>>
      %dma_start3A_689 = tpu.memref_squeeze %dma_start3A_688 : memref<1x104x128xf32, #tpu.memory_space<vmem>> -> memref<104x128xf32, #tpu.memory_space<vmem>>
      %dma_start3A_690 = tpu.memref_slice %arg5[%mul3A_683] : memref<3328xi32, #tpu.memory_space<vmem>> -> memref<104xi32, #tpu.memory_space<vmem>>
      %dma_start3A_691 = arith.constant 0 : i32
      %dma_start3A_692 = arith.constant 0 : i32
      %dma_start3A_693 = tpu.memref_slice %arg3[%dma_start3A_691, %dma_start3A_692] : memref<100000x128xf32, #tpu.memory_space<hbm>> -> memref<100000x128xf32, #tpu.memory_space<hbm>>
      %dma_start3A_694 = tpu.memref_slice %arg7[%dma_start3A_685] : memref<8x!tpu.dma_semaphore, #tpu.memory_space<semaphore_mem>> -> memref<1x!tpu.dma_semaphore, #tpu.memory_space<semaphore_mem>>
      %dma_start3A_695 = tpu.memref_squeeze %dma_start3A_694 : memref<1x!tpu.dma_semaphore, #tpu.memory_space<semaphore_mem>> -> memref<!tpu.dma_semaphore, #tpu.memory_space<semaphore_mem>>
      tpu.enqueue_indirect_dma source(%dma_start3A_693 : memref<100000x128xf32, #tpu.memory_space<hbm>>) target(%dma_start3A_689 : memref<104x128xf32, #tpu.memory_space<vmem>>) offsets(%dma_start3A_690 : memref<104xi32, #tpu.memory_space<vmem>>) semaphore(%dma_start3A_695 : memref<!tpu.dma_semaphore, #tpu.memory_space<semaphore_mem>>)
      %mul3A_696 = arith.constant 8 : i32
      %mul3A_697 = arith.muli %scan3A_488, %mul3A_696 : i32
      %add3A_698 = arith.constant 3 : i32
      %add3A_699 = arith.addi %mul3A_697, %add3A_698 : i32
      %mul3A_700 = arith.constant 104 : i32
      %mul3A_701 = arith.muli %add3A_699, %mul3A_700 : i32
      %dma_wait3A_702 = arith.constant 3 : i32
      %dma_wait3A_703 = arith.constant 3 : i32
      %dma_wait3A_704 = arith.constant 0 : i32
      %dma_wait3A_705 = arith.constant 0 : i32
      %dma_wait3A_706 = tpu.memref_slice %arg6[%dma_wait3A_702, %dma_wait3A_704, %dma_wait3A_705] : memref<8x104x128xf32, #tpu.memory_space<vmem>> -> memref<1x104x128xf32, #tpu.memory_space<vmem>>
      %dma_wait3A_707 = tpu.memref_squeeze %dma_wait3A_706 : memref<1x104x128xf32, #tpu.memory_space<vmem>> -> memref<104x128xf32, #tpu.memory_space<vmem>>
      %dma_wait3A_708 = tpu.memref_slice %arg5[%mul3A_701] : memref<3328xi32, #tpu.memory_space<vmem>> -> memref<104xi32, #tpu.memory_space<vmem>>
      %dma_wait3A_709 = arith.constant 0 : i32
      %dma_wait3A_710 = arith.constant 0 : i32
      %dma_wait3A_711 = tpu.memref_slice %arg3[%dma_wait3A_709, %dma_wait3A_710] : memref<100000x128xf32, #tpu.memory_space<hbm>> -> memref<100000x128xf32, #tpu.memory_space<hbm>>
      %dma_wait3A_712 = tpu.memref_slice %arg7[%dma_wait3A_703] : memref<8x!tpu.dma_semaphore, #tpu.memory_space<semaphore_mem>> -> memref<1x!tpu.dma_semaphore, #tpu.memory_space<semaphore_mem>>
      %dma_wait3A_713 = tpu.memref_squeeze %dma_wait3A_712 : memref<1x!tpu.dma_semaphore, #tpu.memory_space<semaphore_mem>> -> memref<!tpu.dma_semaphore, #tpu.memory_space<semaphore_mem>>
      tpu.wait_indirect_dma semaphore(%dma_wait3A_713 : memref<!tpu.dma_semaphore, #tpu.memory_space<semaphore_mem>>) src(%dma_wait3A_711 : memref<100000x128xf32, #tpu.memory_space<hbm>>) dst(%dma_wait3A_707 : memref<104x128xf32, #tpu.memory_space<vmem>>)
      %mul3A_714 = arith.constant 104 : i32
      %mul3A_715 = arith.muli %add3A_699, %mul3A_714 : i32
      %add3A_716 = arith.addi %mul3A_4, %mul3A_715 : i32
      %dma_start3A_717 = arith.constant 3 : i32
      %dma_start3A_718 = arith.constant 3 : i32
      %dma_start3A_719 = arith.constant 0 : i32
      %dma_start3A_720 = arith.constant 0 : i32
      %dma_start3A_721 = tpu.memref_slice %arg6[%dma_start3A_717, %dma_start3A_719, %dma_start3A_720] : memref<8x104x128xf32, #tpu.memory_space<vmem>> -> memref<1x104x128xf32, #tpu.memory_space<vmem>>
      %dma_start3A_722 = tpu.memref_squeeze %dma_start3A_721 : memref<1x104x128xf32, #tpu.memory_space<vmem>> -> memref<104x128xf32, #tpu.memory_space<vmem>>
      %dma_start3A_723 = arith.constant 0 : i32
      %dma_start3A_724 = tpu.memref_slice %arg4[%add3A_716, %dma_start3A_723] : memref<106496x128xf32, #tpu.memory_space<hbm>> -> memref<104x128xf32, #tpu.memory_space<hbm>>
      %dma_start3A_725 = tpu.memref_slice %arg8[%dma_start3A_718] : memref<8x!tpu.dma_semaphore, #tpu.memory_space<semaphore_mem>> -> memref<1x!tpu.dma_semaphore, #tpu.memory_space<semaphore_mem>>
      %dma_start3A_726 = tpu.memref_squeeze %dma_start3A_725 : memref<1x!tpu.dma_semaphore, #tpu.memory_space<semaphore_mem>> -> memref<!tpu.dma_semaphore, #tpu.memory_space<semaphore_mem>>
      %dma_start3A_727 = arith.constant 0 : i32
      %dma_start3A_728 = tpu.memref_slice %arg4[%add3A_716, %dma_start3A_727] : memref<106496x128xf32, #tpu.memory_space<hbm>> -> memref<104x128xf32, #tpu.memory_space<hbm>>
      %dma_start3A_729 = arith.constant 0 : i32
      %dma_start3A_730 = arith.constant 0 : i32
      %dma_start3A_731 = tpu.memref_slice %arg6[%dma_start3A_717, %dma_start3A_729, %dma_start3A_730] : memref<8x104x128xf32, #tpu.memory_space<vmem>> -> memref<1x104x128xf32, #tpu.memory_space<vmem>>
      %dma_start3A_732 = tpu.memref_squeeze %dma_start3A_731 : memref<1x104x128xf32, #tpu.memory_space<vmem>> -> memref<104x128xf32, #tpu.memory_space<vmem>>
      tpu.enqueue_dma source(%dma_start3A_732 : memref<104x128xf32, #tpu.memory_space<vmem>>) target(%dma_start3A_728 : memref<104x128xf32, #tpu.memory_space<hbm>>) target_semaphore(%dma_start3A_726 : memref<!tpu.dma_semaphore, #tpu.memory_space<semaphore_mem>>)
      %dma_wait3A_733 = arith.constant 3 : i32
      %dma_wait3A_734 = arith.constant 3 : i32
      %dma_wait3A_735 = arith.constant 0 : i32
      %dma_wait3A_736 = arith.constant 0 : i32
      %dma_wait3A_737 = tpu.memref_slice %arg6[%dma_wait3A_733, %dma_wait3A_735, %dma_wait3A_736] : memref<8x104x128xf32, #tpu.memory_space<vmem>> -> memref<1x104x128xf32, #tpu.memory_space<vmem>>
      %dma_wait3A_738 = tpu.memref_squeeze %dma_wait3A_737 : memref<1x104x128xf32, #tpu.memory_space<vmem>> -> memref<104x128xf32, #tpu.memory_space<vmem>>
      %dma_wait3A_739 = arith.constant 0 : i32
      %dma_wait3A_740 = tpu.memref_slice %arg4[%add3A_716, %dma_wait3A_739] : memref<106496x128xf32, #tpu.memory_space<hbm>> -> memref<104x128xf32, #tpu.memory_space<hbm>>
      %dma_wait3A_741 = tpu.memref_slice %arg8[%dma_wait3A_734] : memref<8x!tpu.dma_semaphore, #tpu.memory_space<semaphore_mem>> -> memref<1x!tpu.dma_semaphore, #tpu.memory_space<semaphore_mem>>
      %dma_wait3A_742 = tpu.memref_squeeze %dma_wait3A_741 : memref<1x!tpu.dma_semaphore, #tpu.memory_space<semaphore_mem>> -> memref<!tpu.dma_semaphore, #tpu.memory_space<semaphore_mem>>
      %dma_wait3A_743 = arith.constant 0 : i32
      %dma_wait3A_744 = tpu.memref_slice %arg4[%add3A_716, %dma_wait3A_743] : memref<106496x128xf32, #tpu.memory_space<hbm>> -> memref<104x128xf32, #tpu.memory_space<hbm>>
      %dma_wait3A_745 = arith.constant 0 : i32
      %dma_wait3A_746 = arith.constant 0 : i32
      %dma_wait3A_747 = tpu.memref_slice %arg6[%dma_wait3A_733, %dma_wait3A_745, %dma_wait3A_746] : memref<8x104x128xf32, #tpu.memory_space<vmem>> -> memref<1x104x128xf32, #tpu.memory_space<vmem>>
      %dma_wait3A_748 = tpu.memref_squeeze %dma_wait3A_747 : memref<1x104x128xf32, #tpu.memory_space<vmem>> -> memref<104x128xf32, #tpu.memory_space<vmem>>
      tpu.wait_dma2 semaphore(%dma_wait3A_742 : memref<!tpu.dma_semaphore, #tpu.memory_space<semaphore_mem>>) src(%dma_wait3A_748 : memref<104x128xf32, #tpu.memory_space<vmem>>) dst(%dma_wait3A_744 : memref<104x128xf32, #tpu.memory_space<hbm>>)
      %add3A_749 = arith.constant 8 : i32
      %add3A_750 = arith.addi %add3A_699, %add3A_749 : i32
      %mul3A_751 = arith.constant 104 : i32
      %mul3A_752 = arith.muli %add3A_750, %mul3A_751 : i32
      %dma_start3A_753 = arith.constant 3 : i32
      %dma_start3A_754 = arith.constant 3 : i32
      %dma_start3A_755 = arith.constant 0 : i32
      %dma_start3A_756 = arith.constant 0 : i32
      %dma_start3A_757 = tpu.memref_slice %arg6[%dma_start3A_753, %dma_start3A_755, %dma_start3A_756] : memref<8x104x128xf32, #tpu.memory_space<vmem>> -> memref<1x104x128xf32, #tpu.memory_space<vmem>>
      %dma_start3A_758 = tpu.memref_squeeze %dma_start3A_757 : memref<1x104x128xf32, #tpu.memory_space<vmem>> -> memref<104x128xf32, #tpu.memory_space<vmem>>
      %dma_start3A_759 = tpu.memref_slice %arg5[%mul3A_752] : memref<3328xi32, #tpu.memory_space<vmem>> -> memref<104xi32, #tpu.memory_space<vmem>>
      %dma_start3A_760 = arith.constant 0 : i32
      %dma_start3A_761 = arith.constant 0 : i32
      %dma_start3A_762 = tpu.memref_slice %arg3[%dma_start3A_760, %dma_start3A_761] : memref<100000x128xf32, #tpu.memory_space<hbm>> -> memref<100000x128xf32, #tpu.memory_space<hbm>>
      %dma_start3A_763 = tpu.memref_slice %arg7[%dma_start3A_754] : memref<8x!tpu.dma_semaphore, #tpu.memory_space<semaphore_mem>> -> memref<1x!tpu.dma_semaphore, #tpu.memory_space<semaphore_mem>>
      %dma_start3A_764 = tpu.memref_squeeze %dma_start3A_763 : memref<1x!tpu.dma_semaphore, #tpu.memory_space<semaphore_mem>> -> memref<!tpu.dma_semaphore, #tpu.memory_space<semaphore_mem>>
      tpu.enqueue_indirect_dma source(%dma_start3A_762 : memref<100000x128xf32, #tpu.memory_space<hbm>>) target(%dma_start3A_758 : memref<104x128xf32, #tpu.memory_space<vmem>>) offsets(%dma_start3A_759 : memref<104xi32, #tpu.memory_space<vmem>>) semaphore(%dma_start3A_764 : memref<!tpu.dma_semaphore, #tpu.memory_space<semaphore_mem>>)
      %mul3A_765 = arith.constant 8 : i32
      %mul3A_766 = arith.muli %scan3A_488, %mul3A_765 : i32
      %add3A_767 = arith.constant 4 : i32
      %add3A_768 = arith.addi %mul3A_766, %add3A_767 : i32
      %mul3A_769 = arith.constant 104 : i32
      %mul3A_770 = arith.muli %add3A_768, %mul3A_769 : i32
      %dma_wait3A_771 = arith.constant 4 : i32
      %dma_wait3A_772 = arith.constant 4 : i32
      %dma_wait3A_773 = arith.constant 0 : i32
      %dma_wait3A_774 = arith.constant 0 : i32
      %dma_wait3A_775 = tpu.memref_slice %arg6[%dma_wait3A_771, %dma_wait3A_773, %dma_wait3A_774] : memref<8x104x128xf32, #tpu.memory_space<vmem>> -> memref<1x104x128xf32, #tpu.memory_space<vmem>>
      %dma_wait3A_776 = tpu.memref_squeeze %dma_wait3A_775 : memref<1x104x128xf32, #tpu.memory_space<vmem>> -> memref<104x128xf32, #tpu.memory_space<vmem>>
      %dma_wait3A_777 = tpu.memref_slice %arg5[%mul3A_770] : memref<3328xi32, #tpu.memory_space<vmem>> -> memref<104xi32, #tpu.memory_space<vmem>>
      %dma_wait3A_778 = arith.constant 0 : i32
      %dma_wait3A_779 = arith.constant 0 : i32
      %dma_wait3A_780 = tpu.memref_slice %arg3[%dma_wait3A_778, %dma_wait3A_779] : memref<100000x128xf32, #tpu.memory_space<hbm>> -> memref<100000x128xf32, #tpu.memory_space<hbm>>
      %dma_wait3A_781 = tpu.memref_slice %arg7[%dma_wait3A_772] : memref<8x!tpu.dma_semaphore, #tpu.memory_space<semaphore_mem>> -> memref<1x!tpu.dma_semaphore, #tpu.memory_space<semaphore_mem>>
      %dma_wait3A_782 = tpu.memref_squeeze %dma_wait3A_781 : memref<1x!tpu.dma_semaphore, #tpu.memory_space<semaphore_mem>> -> memref<!tpu.dma_semaphore, #tpu.memory_space<semaphore_mem>>
      tpu.wait_indirect_dma semaphore(%dma_wait3A_782 : memref<!tpu.dma_semaphore, #tpu.memory_space<semaphore_mem>>) src(%dma_wait3A_780 : memref<100000x128xf32, #tpu.memory_space<hbm>>) dst(%dma_wait3A_776 : memref<104x128xf32, #tpu.memory_space<vmem>>)
      %mul3A_783 = arith.constant 104 : i32
      %mul3A_784 = arith.muli %add3A_768, %mul3A_783 : i32
      %add3A_785 = arith.addi %mul3A_4, %mul3A_784 : i32
      %dma_start3A_786 = arith.constant 4 : i32
      %dma_start3A_787 = arith.constant 4 : i32
      %dma_start3A_788 = arith.constant 0 : i32
      %dma_start3A_789 = arith.constant 0 : i32
      %dma_start3A_790 = tpu.memref_slice %arg6[%dma_start3A_786, %dma_start3A_788, %dma_start3A_789] : memref<8x104x128xf32, #tpu.memory_space<vmem>> -> memref<1x104x128xf32, #tpu.memory_space<vmem>>
      %dma_start3A_791 = tpu.memref_squeeze %dma_start3A_790 : memref<1x104x128xf32, #tpu.memory_space<vmem>> -> memref<104x128xf32, #tpu.memory_space<vmem>>
      %dma_start3A_792 = arith.constant 0 : i32
      %dma_start3A_793 = tpu.memref_slice %arg4[%add3A_785, %dma_start3A_792] : memref<106496x128xf32, #tpu.memory_space<hbm>> -> memref<104x128xf32, #tpu.memory_space<hbm>>
      %dma_start3A_794 = tpu.memref_slice %arg8[%dma_start3A_787] : memref<8x!tpu.dma_semaphore, #tpu.memory_space<semaphore_mem>> -> memref<1x!tpu.dma_semaphore, #tpu.memory_space<semaphore_mem>>
      %dma_start3A_795 = tpu.memref_squeeze %dma_start3A_794 : memref<1x!tpu.dma_semaphore, #tpu.memory_space<semaphore_mem>> -> memref<!tpu.dma_semaphore, #tpu.memory_space<semaphore_mem>>
      %dma_start3A_796 = arith.constant 0 : i32
      %dma_start3A_797 = tpu.memref_slice %arg4[%add3A_785, %dma_start3A_796] : memref<106496x128xf32, #tpu.memory_space<hbm>> -> memref<104x128xf32, #tpu.memory_space<hbm>>
      %dma_start3A_798 = arith.constant 0 : i32
      %dma_start3A_799 = arith.constant 0 : i32
      %dma_start3A_800 = tpu.memref_slice %arg6[%dma_start3A_786, %dma_start3A_798, %dma_start3A_799] : memref<8x104x128xf32, #tpu.memory_space<vmem>> -> memref<1x104x128xf32, #tpu.memory_space<vmem>>
      %dma_start3A_801 = tpu.memref_squeeze %dma_start3A_800 : memref<1x104x128xf32, #tpu.memory_space<vmem>> -> memref<104x128xf32, #tpu.memory_space<vmem>>
      tpu.enqueue_dma source(%dma_start3A_801 : memref<104x128xf32, #tpu.memory_space<vmem>>) target(%dma_start3A_797 : memref<104x128xf32, #tpu.memory_space<hbm>>) target_semaphore(%dma_start3A_795 : memref<!tpu.dma_semaphore, #tpu.memory_space<semaphore_mem>>)
      %dma_wait3A_802 = arith.constant 4 : i32
      %dma_wait3A_803 = arith.constant 4 : i32
      %dma_wait3A_804 = arith.constant 0 : i32
      %dma_wait3A_805 = arith.constant 0 : i32
      %dma_wait3A_806 = tpu.memref_slice %arg6[%dma_wait3A_802, %dma_wait3A_804, %dma_wait3A_805] : memref<8x104x128xf32, #tpu.memory_space<vmem>> -> memref<1x104x128xf32, #tpu.memory_space<vmem>>
      %dma_wait3A_807 = tpu.memref_squeeze %dma_wait3A_806 : memref<1x104x128xf32, #tpu.memory_space<vmem>> -> memref<104x128xf32, #tpu.memory_space<vmem>>
      %dma_wait3A_808 = arith.constant 0 : i32
      %dma_wait3A_809 = tpu.memref_slice %arg4[%add3A_785, %dma_wait3A_808] : memref<106496x128xf32, #tpu.memory_space<hbm>> -> memref<104x128xf32, #tpu.memory_space<hbm>>
      %dma_wait3A_810 = tpu.memref_slice %arg8[%dma_wait3A_803] : memref<8x!tpu.dma_semaphore, #tpu.memory_space<semaphore_mem>> -> memref<1x!tpu.dma_semaphore, #tpu.memory_space<semaphore_mem>>
      %dma_wait3A_811 = tpu.memref_squeeze %dma_wait3A_810 : memref<1x!tpu.dma_semaphore, #tpu.memory_space<semaphore_mem>> -> memref<!tpu.dma_semaphore, #tpu.memory_space<semaphore_mem>>
      %dma_wait3A_812 = arith.constant 0 : i32
      %dma_wait3A_813 = tpu.memref_slice %arg4[%add3A_785, %dma_wait3A_812] : memref<106496x128xf32, #tpu.memory_space<hbm>> -> memref<104x128xf32, #tpu.memory_space<hbm>>
      %dma_wait3A_814 = arith.constant 0 : i32
      %dma_wait3A_815 = arith.constant 0 : i32
      %dma_wait3A_816 = tpu.memref_slice %arg6[%dma_wait3A_802, %dma_wait3A_814, %dma_wait3A_815] : memref<8x104x128xf32, #tpu.memory_space<vmem>> -> memref<1x104x128xf32, #tpu.memory_space<vmem>>
      %dma_wait3A_817 = tpu.memref_squeeze %dma_wait3A_816 : memref<1x104x128xf32, #tpu.memory_space<vmem>> -> memref<104x128xf32, #tpu.memory_space<vmem>>
      tpu.wait_dma2 semaphore(%dma_wait3A_811 : memref<!tpu.dma_semaphore, #tpu.memory_space<semaphore_mem>>) src(%dma_wait3A_817 : memref<104x128xf32, #tpu.memory_space<vmem>>) dst(%dma_wait3A_813 : memref<104x128xf32, #tpu.memory_space<hbm>>)
      %add3A_818 = arith.constant 8 : i32
      %add3A_819 = arith.addi %add3A_768, %add3A_818 : i32
      %mul3A_820 = arith.constant 104 : i32
      %mul3A_821 = arith.muli %add3A_819, %mul3A_820 : i32
      %dma_start3A_822 = arith.constant 4 : i32
      %dma_start3A_823 = arith.constant 4 : i32
      %dma_start3A_824 = arith.constant 0 : i32
      %dma_start3A_825 = arith.constant 0 : i32
      %dma_start3A_826 = tpu.memref_slice %arg6[%dma_start3A_822, %dma_start3A_824, %dma_start3A_825] : memref<8x104x128xf32, #tpu.memory_space<vmem>> -> memref<1x104x128xf32, #tpu.memory_space<vmem>>
      %dma_start3A_827 = tpu.memref_squeeze %dma_start3A_826 : memref<1x104x128xf32, #tpu.memory_space<vmem>> -> memref<104x128xf32, #tpu.memory_space<vmem>>
      %dma_start3A_828 = tpu.memref_slice %arg5[%mul3A_821] : memref<3328xi32, #tpu.memory_space<vmem>> -> memref<104xi32, #tpu.memory_space<vmem>>
      %dma_start3A_829 = arith.constant 0 : i32
      %dma_start3A_830 = arith.constant 0 : i32
      %dma_start3A_831 = tpu.memref_slice %arg3[%dma_start3A_829, %dma_start3A_830] : memref<100000x128xf32, #tpu.memory_space<hbm>> -> memref<100000x128xf32, #tpu.memory_space<hbm>>
      %dma_start3A_832 = tpu.memref_slice %arg7[%dma_start3A_823] : memref<8x!tpu.dma_semaphore, #tpu.memory_space<semaphore_mem>> -> memref<1x!tpu.dma_semaphore, #tpu.memory_space<semaphore_mem>>
      %dma_start3A_833 = tpu.memref_squeeze %dma_start3A_832 : memref<1x!tpu.dma_semaphore, #tpu.memory_space<semaphore_mem>> -> memref<!tpu.dma_semaphore, #tpu.memory_space<semaphore_mem>>
      tpu.enqueue_indirect_dma source(%dma_start3A_831 : memref<100000x128xf32, #tpu.memory_space<hbm>>) target(%dma_start3A_827 : memref<104x128xf32, #tpu.memory_space<vmem>>) offsets(%dma_start3A_828 : memref<104xi32, #tpu.memory_space<vmem>>) semaphore(%dma_start3A_833 : memref<!tpu.dma_semaphore, #tpu.memory_space<semaphore_mem>>)
      %mul3A_834 = arith.constant 8 : i32
      %mul3A_835 = arith.muli %scan3A_488, %mul3A_834 : i32
      %add3A_836 = arith.constant 5 : i32
      %add3A_837 = arith.addi %mul3A_835, %add3A_836 : i32
      %mul3A_838 = arith.constant 104 : i32
      %mul3A_839 = arith.muli %add3A_837, %mul3A_838 : i32
      %dma_wait3A_840 = arith.constant 5 : i32
      %dma_wait3A_841 = arith.constant 5 : i32
      %dma_wait3A_842 = arith.constant 0 : i32
      %dma_wait3A_843 = arith.constant 0 : i32
      %dma_wait3A_844 = tpu.memref_slice %arg6[%dma_wait3A_840, %dma_wait3A_842, %dma_wait3A_843] : memref<8x104x128xf32, #tpu.memory_space<vmem>> -> memref<1x104x128xf32, #tpu.memory_space<vmem>>
      %dma_wait3A_845 = tpu.memref_squeeze %dma_wait3A_844 : memref<1x104x128xf32, #tpu.memory_space<vmem>> -> memref<104x128xf32, #tpu.memory_space<vmem>>
      %dma_wait3A_846 = tpu.memref_slice %arg5[%mul3A_839] : memref<3328xi32, #tpu.memory_space<vmem>> -> memref<104xi32, #tpu.memory_space<vmem>>
      %dma_wait3A_847 = arith.constant 0 : i32
      %dma_wait3A_848 = arith.constant 0 : i32
      %dma_wait3A_849 = tpu.memref_slice %arg3[%dma_wait3A_847, %dma_wait3A_848] : memref<100000x128xf32, #tpu.memory_space<hbm>> -> memref<100000x128xf32, #tpu.memory_space<hbm>>
      %dma_wait3A_850 = tpu.memref_slice %arg7[%dma_wait3A_841] : memref<8x!tpu.dma_semaphore, #tpu.memory_space<semaphore_mem>> -> memref<1x!tpu.dma_semaphore, #tpu.memory_space<semaphore_mem>>
      %dma_wait3A_851 = tpu.memref_squeeze %dma_wait3A_850 : memref<1x!tpu.dma_semaphore, #tpu.memory_space<semaphore_mem>> -> memref<!tpu.dma_semaphore, #tpu.memory_space<semaphore_mem>>
      tpu.wait_indirect_dma semaphore(%dma_wait3A_851 : memref<!tpu.dma_semaphore, #tpu.memory_space<semaphore_mem>>) src(%dma_wait3A_849 : memref<100000x128xf32, #tpu.memory_space<hbm>>) dst(%dma_wait3A_845 : memref<104x128xf32, #tpu.memory_space<vmem>>)
      %mul3A_852 = arith.constant 104 : i32
      %mul3A_853 = arith.muli %add3A_837, %mul3A_852 : i32
      %add3A_854 = arith.addi %mul3A_4, %mul3A_853 : i32
      %dma_start3A_855 = arith.constant 5 : i32
      %dma_start3A_856 = arith.constant 5 : i32
      %dma_start3A_857 = arith.constant 0 : i32
      %dma_start3A_858 = arith.constant 0 : i32
      %dma_start3A_859 = tpu.memref_slice %arg6[%dma_start3A_855, %dma_start3A_857, %dma_start3A_858] : memref<8x104x128xf32, #tpu.memory_space<vmem>> -> memref<1x104x128xf32, #tpu.memory_space<vmem>>
      %dma_start3A_860 = tpu.memref_squeeze %dma_start3A_859 : memref<1x104x128xf32, #tpu.memory_space<vmem>> -> memref<104x128xf32, #tpu.memory_space<vmem>>
      %dma_start3A_861 = arith.constant 0 : i32
      %dma_start3A_862 = tpu.memref_slice %arg4[%add3A_854, %dma_start3A_861] : memref<106496x128xf32, #tpu.memory_space<hbm>> -> memref<104x128xf32, #tpu.memory_space<hbm>>
      %dma_start3A_863 = tpu.memref_slice %arg8[%dma_start3A_856] : memref<8x!tpu.dma_semaphore, #tpu.memory_space<semaphore_mem>> -> memref<1x!tpu.dma_semaphore, #tpu.memory_space<semaphore_mem>>
      %dma_start3A_864 = tpu.memref_squeeze %dma_start3A_863 : memref<1x!tpu.dma_semaphore, #tpu.memory_space<semaphore_mem>> -> memref<!tpu.dma_semaphore, #tpu.memory_space<semaphore_mem>>
      %dma_start3A_865 = arith.constant 0 : i32
      %dma_start3A_866 = tpu.memref_slice %arg4[%add3A_854, %dma_start3A_865] : memref<106496x128xf32, #tpu.memory_space<hbm>> -> memref<104x128xf32, #tpu.memory_space<hbm>>
      %dma_start3A_867 = arith.constant 0 : i32
      %dma_start3A_868 = arith.constant 0 : i32
      %dma_start3A_869 = tpu.memref_slice %arg6[%dma_start3A_855, %dma_start3A_867, %dma_start3A_868] : memref<8x104x128xf32, #tpu.memory_space<vmem>> -> memref<1x104x128xf32, #tpu.memory_space<vmem>>
      %dma_start3A_870 = tpu.memref_squeeze %dma_start3A_869 : memref<1x104x128xf32, #tpu.memory_space<vmem>> -> memref<104x128xf32, #tpu.memory_space<vmem>>
      tpu.enqueue_dma source(%dma_start3A_870 : memref<104x128xf32, #tpu.memory_space<vmem>>) target(%dma_start3A_866 : memref<104x128xf32, #tpu.memory_space<hbm>>) target_semaphore(%dma_start3A_864 : memref<!tpu.dma_semaphore, #tpu.memory_space<semaphore_mem>>)
      %dma_wait3A_871 = arith.constant 5 : i32
      %dma_wait3A_872 = arith.constant 5 : i32
      %dma_wait3A_873 = arith.constant 0 : i32
      %dma_wait3A_874 = arith.constant 0 : i32
      %dma_wait3A_875 = tpu.memref_slice %arg6[%dma_wait3A_871, %dma_wait3A_873, %dma_wait3A_874] : memref<8x104x128xf32, #tpu.memory_space<vmem>> -> memref<1x104x128xf32, #tpu.memory_space<vmem>>
      %dma_wait3A_876 = tpu.memref_squeeze %dma_wait3A_875 : memref<1x104x128xf32, #tpu.memory_space<vmem>> -> memref<104x128xf32, #tpu.memory_space<vmem>>
      %dma_wait3A_877 = arith.constant 0 : i32
      %dma_wait3A_878 = tpu.memref_slice %arg4[%add3A_854, %dma_wait3A_877] : memref<106496x128xf32, #tpu.memory_space<hbm>> -> memref<104x128xf32, #tpu.memory_space<hbm>>
      %dma_wait3A_879 = tpu.memref_slice %arg8[%dma_wait3A_872] : memref<8x!tpu.dma_semaphore, #tpu.memory_space<semaphore_mem>> -> memref<1x!tpu.dma_semaphore, #tpu.memory_space<semaphore_mem>>
      %dma_wait3A_880 = tpu.memref_squeeze %dma_wait3A_879 : memref<1x!tpu.dma_semaphore, #tpu.memory_space<semaphore_mem>> -> memref<!tpu.dma_semaphore, #tpu.memory_space<semaphore_mem>>
      %dma_wait3A_881 = arith.constant 0 : i32
      %dma_wait3A_882 = tpu.memref_slice %arg4[%add3A_854, %dma_wait3A_881] : memref<106496x128xf32, #tpu.memory_space<hbm>> -> memref<104x128xf32, #tpu.memory_space<hbm>>
      %dma_wait3A_883 = arith.constant 0 : i32
      %dma_wait3A_884 = arith.constant 0 : i32
      %dma_wait3A_885 = tpu.memref_slice %arg6[%dma_wait3A_871, %dma_wait3A_883, %dma_wait3A_884] : memref<8x104x128xf32, #tpu.memory_space<vmem>> -> memref<1x104x128xf32, #tpu.memory_space<vmem>>
      %dma_wait3A_886 = tpu.memref_squeeze %dma_wait3A_885 : memref<1x104x128xf32, #tpu.memory_space<vmem>> -> memref<104x128xf32, #tpu.memory_space<vmem>>
      tpu.wait_dma2 semaphore(%dma_wait3A_880 : memref<!tpu.dma_semaphore, #tpu.memory_space<semaphore_mem>>) src(%dma_wait3A_886 : memref<104x128xf32, #tpu.memory_space<vmem>>) dst(%dma_wait3A_882 : memref<104x128xf32, #tpu.memory_space<hbm>>)
      %add3A_887 = arith.constant 8 : i32
      %add3A_888 = arith.addi %add3A_837, %add3A_887 : i32
      %mul3A_889 = arith.constant 104 : i32
      %mul3A_890 = arith.muli %add3A_888, %mul3A_889 : i32
      %dma_start3A_891 = arith.constant 5 : i32
      %dma_start3A_892 = arith.constant 5 : i32
      %dma_start3A_893 = arith.constant 0 : i32
      %dma_start3A_894 = arith.constant 0 : i32
      %dma_start3A_895 = tpu.memref_slice %arg6[%dma_start3A_891, %dma_start3A_893, %dma_start3A_894] : memref<8x104x128xf32, #tpu.memory_space<vmem>> -> memref<1x104x128xf32, #tpu.memory_space<vmem>>
      %dma_start3A_896 = tpu.memref_squeeze %dma_start3A_895 : memref<1x104x128xf32, #tpu.memory_space<vmem>> -> memref<104x128xf32, #tpu.memory_space<vmem>>
      %dma_start3A_897 = tpu.memref_slice %arg5[%mul3A_890] : memref<3328xi32, #tpu.memory_space<vmem>> -> memref<104xi32, #tpu.memory_space<vmem>>
      %dma_start3A_898 = arith.constant 0 : i32
      %dma_start3A_899 = arith.constant 0 : i32
      %dma_start3A_900 = tpu.memref_slice %arg3[%dma_start3A_898, %dma_start3A_899] : memref<100000x128xf32, #tpu.memory_space<hbm>> -> memref<100000x128xf32, #tpu.memory_space<hbm>>
      %dma_start3A_901 = tpu.memref_slice %arg7[%dma_start3A_892] : memref<8x!tpu.dma_semaphore, #tpu.memory_space<semaphore_mem>> -> memref<1x!tpu.dma_semaphore, #tpu.memory_space<semaphore_mem>>
      %dma_start3A_902 = tpu.memref_squeeze %dma_start3A_901 : memref<1x!tpu.dma_semaphore, #tpu.memory_space<semaphore_mem>> -> memref<!tpu.dma_semaphore, #tpu.memory_space<semaphore_mem>>
      tpu.enqueue_indirect_dma source(%dma_start3A_900 : memref<100000x128xf32, #tpu.memory_space<hbm>>) target(%dma_start3A_896 : memref<104x128xf32, #tpu.memory_space<vmem>>) offsets(%dma_start3A_897 : memref<104xi32, #tpu.memory_space<vmem>>) semaphore(%dma_start3A_902 : memref<!tpu.dma_semaphore, #tpu.memory_space<semaphore_mem>>)
      %mul3A_903 = arith.constant 8 : i32
      %mul3A_904 = arith.muli %scan3A_488, %mul3A_903 : i32
      %add3A_905 = arith.constant 6 : i32
      %add3A_906 = arith.addi %mul3A_904, %add3A_905 : i32
      %mul3A_907 = arith.constant 104 : i32
      %mul3A_908 = arith.muli %add3A_906, %mul3A_907 : i32
      %dma_wait3A_909 = arith.constant 6 : i32
      %dma_wait3A_910 = arith.constant 6 : i32
      %dma_wait3A_911 = arith.constant 0 : i32
      %dma_wait3A_912 = arith.constant 0 : i32
      %dma_wait3A_913 = tpu.memref_slice %arg6[%dma_wait3A_909, %dma_wait3A_911, %dma_wait3A_912] : memref<8x104x128xf32, #tpu.memory_space<vmem>> -> memref<1x104x128xf32, #tpu.memory_space<vmem>>
      %dma_wait3A_914 = tpu.memref_squeeze %dma_wait3A_913 : memref<1x104x128xf32, #tpu.memory_space<vmem>> -> memref<104x128xf32, #tpu.memory_space<vmem>>
      %dma_wait3A_915 = tpu.memref_slice %arg5[%mul3A_908] : memref<3328xi32, #tpu.memory_space<vmem>> -> memref<104xi32, #tpu.memory_space<vmem>>
      %dma_wait3A_916 = arith.constant 0 : i32
      %dma_wait3A_917 = arith.constant 0 : i32
      %dma_wait3A_918 = tpu.memref_slice %arg3[%dma_wait3A_916, %dma_wait3A_917] : memref<100000x128xf32, #tpu.memory_space<hbm>> -> memref<100000x128xf32, #tpu.memory_space<hbm>>
      %dma_wait3A_919 = tpu.memref_slice %arg7[%dma_wait3A_910] : memref<8x!tpu.dma_semaphore, #tpu.memory_space<semaphore_mem>> -> memref<1x!tpu.dma_semaphore, #tpu.memory_space<semaphore_mem>>
      %dma_wait3A_920 = tpu.memref_squeeze %dma_wait3A_919 : memref<1x!tpu.dma_semaphore, #tpu.memory_space<semaphore_mem>> -> memref<!tpu.dma_semaphore, #tpu.memory_space<semaphore_mem>>
      tpu.wait_indirect_dma semaphore(%dma_wait3A_920 : memref<!tpu.dma_semaphore, #tpu.memory_space<semaphore_mem>>) src(%dma_wait3A_918 : memref<100000x128xf32, #tpu.memory_space<hbm>>) dst(%dma_wait3A_914 : memref<104x128xf32, #tpu.memory_space<vmem>>)
      %mul3A_921 = arith.constant 104 : i32
      %mul3A_922 = arith.muli %add3A_906, %mul3A_921 : i32
      %add3A_923 = arith.addi %mul3A_4, %mul3A_922 : i32
      %dma_start3A_924 = arith.constant 6 : i32
      %dma_start3A_925 = arith.constant 6 : i32
      %dma_start3A_926 = arith.constant 0 : i32
      %dma_start3A_927 = arith.constant 0 : i32
      %dma_start3A_928 = tpu.memref_slice %arg6[%dma_start3A_924, %dma_start3A_926, %dma_start3A_927] : memref<8x104x128xf32, #tpu.memory_space<vmem>> -> memref<1x104x128xf32, #tpu.memory_space<vmem>>
      %dma_start3A_929 = tpu.memref_squeeze %dma_start3A_928 : memref<1x104x128xf32, #tpu.memory_space<vmem>> -> memref<104x128xf32, #tpu.memory_space<vmem>>
      %dma_start3A_930 = arith.constant 0 : i32
      %dma_start3A_931 = tpu.memref_slice %arg4[%add3A_923, %dma_start3A_930] : memref<106496x128xf32, #tpu.memory_space<hbm>> -> memref<104x128xf32, #tpu.memory_space<hbm>>
      %dma_start3A_932 = tpu.memref_slice %arg8[%dma_start3A_925] : memref<8x!tpu.dma_semaphore, #tpu.memory_space<semaphore_mem>> -> memref<1x!tpu.dma_semaphore, #tpu.memory_space<semaphore_mem>>
      %dma_start3A_933 = tpu.memref_squeeze %dma_start3A_932 : memref<1x!tpu.dma_semaphore, #tpu.memory_space<semaphore_mem>> -> memref<!tpu.dma_semaphore, #tpu.memory_space<semaphore_mem>>
      %dma_start3A_934 = arith.constant 0 : i32
      %dma_start3A_935 = tpu.memref_slice %arg4[%add3A_923, %dma_start3A_934] : memref<106496x128xf32, #tpu.memory_space<hbm>> -> memref<104x128xf32, #tpu.memory_space<hbm>>
      %dma_start3A_936 = arith.constant 0 : i32
      %dma_start3A_937 = arith.constant 0 : i32
      %dma_start3A_938 = tpu.memref_slice %arg6[%dma_start3A_924, %dma_start3A_936, %dma_start3A_937] : memref<8x104x128xf32, #tpu.memory_space<vmem>> -> memref<1x104x128xf32, #tpu.memory_space<vmem>>
      %dma_start3A_939 = tpu.memref_squeeze %dma_start3A_938 : memref<1x104x128xf32, #tpu.memory_space<vmem>> -> memref<104x128xf32, #tpu.memory_space<vmem>>
      tpu.enqueue_dma source(%dma_start3A_939 : memref<104x128xf32, #tpu.memory_space<vmem>>) target(%dma_start3A_935 : memref<104x128xf32, #tpu.memory_space<hbm>>) target_semaphore(%dma_start3A_933 : memref<!tpu.dma_semaphore, #tpu.memory_space<semaphore_mem>>)
      %dma_wait3A_940 = arith.constant 6 : i32
      %dma_wait3A_941 = arith.constant 6 : i32
      %dma_wait3A_942 = arith.constant 0 : i32
      %dma_wait3A_943 = arith.constant 0 : i32
      %dma_wait3A_944 = tpu.memref_slice %arg6[%dma_wait3A_940, %dma_wait3A_942, %dma_wait3A_943] : memref<8x104x128xf32, #tpu.memory_space<vmem>> -> memref<1x104x128xf32, #tpu.memory_space<vmem>>
      %dma_wait3A_945 = tpu.memref_squeeze %dma_wait3A_944 : memref<1x104x128xf32, #tpu.memory_space<vmem>> -> memref<104x128xf32, #tpu.memory_space<vmem>>
      %dma_wait3A_946 = arith.constant 0 : i32
      %dma_wait3A_947 = tpu.memref_slice %arg4[%add3A_923, %dma_wait3A_946] : memref<106496x128xf32, #tpu.memory_space<hbm>> -> memref<104x128xf32, #tpu.memory_space<hbm>>
      %dma_wait3A_948 = tpu.memref_slice %arg8[%dma_wait3A_941] : memref<8x!tpu.dma_semaphore, #tpu.memory_space<semaphore_mem>> -> memref<1x!tpu.dma_semaphore, #tpu.memory_space<semaphore_mem>>
      %dma_wait3A_949 = tpu.memref_squeeze %dma_wait3A_948 : memref<1x!tpu.dma_semaphore, #tpu.memory_space<semaphore_mem>> -> memref<!tpu.dma_semaphore, #tpu.memory_space<semaphore_mem>>
      %dma_wait3A_950 = arith.constant 0 : i32
      %dma_wait3A_951 = tpu.memref_slice %arg4[%add3A_923, %dma_wait3A_950] : memref<106496x128xf32, #tpu.memory_space<hbm>> -> memref<104x128xf32, #tpu.memory_space<hbm>>
      %dma_wait3A_952 = arith.constant 0 : i32
      %dma_wait3A_953 = arith.constant 0 : i32
      %dma_wait3A_954 = tpu.memref_slice %arg6[%dma_wait3A_940, %dma_wait3A_952, %dma_wait3A_953] : memref<8x104x128xf32, #tpu.memory_space<vmem>> -> memref<1x104x128xf32, #tpu.memory_space<vmem>>
      %dma_wait3A_955 = tpu.memref_squeeze %dma_wait3A_954 : memref<1x104x128xf32, #tpu.memory_space<vmem>> -> memref<104x128xf32, #tpu.memory_space<vmem>>
      tpu.wait_dma2 semaphore(%dma_wait3A_949 : memref<!tpu.dma_semaphore, #tpu.memory_space<semaphore_mem>>) src(%dma_wait3A_955 : memref<104x128xf32, #tpu.memory_space<vmem>>) dst(%dma_wait3A_951 : memref<104x128xf32, #tpu.memory_space<hbm>>)
      %add3A_956 = arith.constant 8 : i32
      %add3A_957 = arith.addi %add3A_906, %add3A_956 : i32
      %mul3A_958 = arith.constant 104 : i32
      %mul3A_959 = arith.muli %add3A_957, %mul3A_958 : i32
      %dma_start3A_960 = arith.constant 6 : i32
      %dma_start3A_961 = arith.constant 6 : i32
      %dma_start3A_962 = arith.constant 0 : i32
      %dma_start3A_963 = arith.constant 0 : i32
      %dma_start3A_964 = tpu.memref_slice %arg6[%dma_start3A_960, %dma_start3A_962, %dma_start3A_963] : memref<8x104x128xf32, #tpu.memory_space<vmem>> -> memref<1x104x128xf32, #tpu.memory_space<vmem>>
      %dma_start3A_965 = tpu.memref_squeeze %dma_start3A_964 : memref<1x104x128xf32, #tpu.memory_space<vmem>> -> memref<104x128xf32, #tpu.memory_space<vmem>>
      %dma_start3A_966 = tpu.memref_slice %arg5[%mul3A_959] : memref<3328xi32, #tpu.memory_space<vmem>> -> memref<104xi32, #tpu.memory_space<vmem>>
      %dma_start3A_967 = arith.constant 0 : i32
      %dma_start3A_968 = arith.constant 0 : i32
      %dma_start3A_969 = tpu.memref_slice %arg3[%dma_start3A_967, %dma_start3A_968] : memref<100000x128xf32, #tpu.memory_space<hbm>> -> memref<100000x128xf32, #tpu.memory_space<hbm>>
      %dma_start3A_970 = tpu.memref_slice %arg7[%dma_start3A_961] : memref<8x!tpu.dma_semaphore, #tpu.memory_space<semaphore_mem>> -> memref<1x!tpu.dma_semaphore, #tpu.memory_space<semaphore_mem>>
      %dma_start3A_971 = tpu.memref_squeeze %dma_start3A_970 : memref<1x!tpu.dma_semaphore, #tpu.memory_space<semaphore_mem>> -> memref<!tpu.dma_semaphore, #tpu.memory_space<semaphore_mem>>
      tpu.enqueue_indirect_dma source(%dma_start3A_969 : memref<100000x128xf32, #tpu.memory_space<hbm>>) target(%dma_start3A_965 : memref<104x128xf32, #tpu.memory_space<vmem>>) offsets(%dma_start3A_966 : memref<104xi32, #tpu.memory_space<vmem>>) semaphore(%dma_start3A_971 : memref<!tpu.dma_semaphore, #tpu.memory_space<semaphore_mem>>)
      %mul3A_972 = arith.constant 8 : i32
      %mul3A_973 = arith.muli %scan3A_488, %mul3A_972 : i32
      %add3A_974 = arith.constant 7 : i32
      %add3A_975 = arith.addi %mul3A_973, %add3A_974 : i32
      %mul3A_976 = arith.constant 104 : i32
      %mul3A_977 = arith.muli %add3A_975, %mul3A_976 : i32
      %dma_wait3A_978 = arith.constant 7 : i32
      %dma_wait3A_979 = arith.constant 7 : i32
      %dma_wait3A_980 = arith.constant 0 : i32
      %dma_wait3A_981 = arith.constant 0 : i32
      %dma_wait3A_982 = tpu.memref_slice %arg6[%dma_wait3A_978, %dma_wait3A_980, %dma_wait3A_981] : memref<8x104x128xf32, #tpu.memory_space<vmem>> -> memref<1x104x128xf32, #tpu.memory_space<vmem>>
      %dma_wait3A_983 = tpu.memref_squeeze %dma_wait3A_982 : memref<1x104x128xf32, #tpu.memory_space<vmem>> -> memref<104x128xf32, #tpu.memory_space<vmem>>
      %dma_wait3A_984 = tpu.memref_slice %arg5[%mul3A_977] : memref<3328xi32, #tpu.memory_space<vmem>> -> memref<104xi32, #tpu.memory_space<vmem>>
      %dma_wait3A_985 = arith.constant 0 : i32
      %dma_wait3A_986 = arith.constant 0 : i32
      %dma_wait3A_987 = tpu.memref_slice %arg3[%dma_wait3A_985, %dma_wait3A_986] : memref<100000x128xf32, #tpu.memory_space<hbm>> -> memref<100000x128xf32, #tpu.memory_space<hbm>>
      %dma_wait3A_988 = tpu.memref_slice %arg7[%dma_wait3A_979] : memref<8x!tpu.dma_semaphore, #tpu.memory_space<semaphore_mem>> -> memref<1x!tpu.dma_semaphore, #tpu.memory_space<semaphore_mem>>
      %dma_wait3A_989 = tpu.memref_squeeze %dma_wait3A_988 : memref<1x!tpu.dma_semaphore, #tpu.memory_space<semaphore_mem>> -> memref<!tpu.dma_semaphore, #tpu.memory_space<semaphore_mem>>
      tpu.wait_indirect_dma semaphore(%dma_wait3A_989 : memref<!tpu.dma_semaphore, #tpu.memory_space<semaphore_mem>>) src(%dma_wait3A_987 : memref<100000x128xf32, #tpu.memory_space<hbm>>) dst(%dma_wait3A_983 : memref<104x128xf32, #tpu.memory_space<vmem>>)
      %mul3A_990 = arith.constant 104 : i32
      %mul3A_991 = arith.muli %add3A_975, %mul3A_990 : i32
      %add3A_992 = arith.addi %mul3A_4, %mul3A_991 : i32
      %dma_start3A_993 = arith.constant 7 : i32
      %dma_start3A_994 = arith.constant 7 : i32
      %dma_start3A_995 = arith.constant 0 : i32
      %dma_start3A_996 = arith.constant 0 : i32
      %dma_start3A_997 = tpu.memref_slice %arg6[%dma_start3A_993, %dma_start3A_995, %dma_start3A_996] : memref<8x104x128xf32, #tpu.memory_space<vmem>> -> memref<1x104x128xf32, #tpu.memory_space<vmem>>
      %dma_start3A_998 = tpu.memref_squeeze %dma_start3A_997 : memref<1x104x128xf32, #tpu.memory_space<vmem>> -> memref<104x128xf32, #tpu.memory_space<vmem>>
      %dma_start3A_999 = arith.constant 0 : i32
      %dma_start3A_1000 = tpu.memref_slice %arg4[%add3A_992, %dma_start3A_999] : memref<106496x128xf32, #tpu.memory_space<hbm>> -> memref<104x128xf32, #tpu.memory_space<hbm>>
      %dma_start3A_1001 = tpu.memref_slice %arg8[%dma_start3A_994] : memref<8x!tpu.dma_semaphore, #tpu.memory_space<semaphore_mem>> -> memref<1x!tpu.dma_semaphore, #tpu.memory_space<semaphore_mem>>
      %dma_start3A_1002 = tpu.memref_squeeze %dma_start3A_1001 : memref<1x!tpu.dma_semaphore, #tpu.memory_space<semaphore_mem>> -> memref<!tpu.dma_semaphore, #tpu.memory_space<semaphore_mem>>
      %dma_start3A_1003 = arith.constant 0 : i32
      %dma_start3A_1004 = tpu.memref_slice %arg4[%add3A_992, %dma_start3A_1003] : memref<106496x128xf32, #tpu.memory_space<hbm>> -> memref<104x128xf32, #tpu.memory_space<hbm>>
      %dma_start3A_1005 = arith.constant 0 : i32
      %dma_start3A_1006 = arith.constant 0 : i32
      %dma_start3A_1007 = tpu.memref_slice %arg6[%dma_start3A_993, %dma_start3A_1005, %dma_start3A_1006] : memref<8x104x128xf32, #tpu.memory_space<vmem>> -> memref<1x104x128xf32, #tpu.memory_space<vmem>>
      %dma_start3A_1008 = tpu.memref_squeeze %dma_start3A_1007 : memref<1x104x128xf32, #tpu.memory_space<vmem>> -> memref<104x128xf32, #tpu.memory_space<vmem>>
      tpu.enqueue_dma source(%dma_start3A_1008 : memref<104x128xf32, #tpu.memory_space<vmem>>) target(%dma_start3A_1004 : memref<104x128xf32, #tpu.memory_space<hbm>>) target_semaphore(%dma_start3A_1002 : memref<!tpu.dma_semaphore, #tpu.memory_space<semaphore_mem>>)
      %dma_wait3A_1009 = arith.constant 7 : i32
      %dma_wait3A_1010 = arith.constant 7 : i32
      %dma_wait3A_1011 = arith.constant 0 : i32
      %dma_wait3A_1012 = arith.constant 0 : i32
      %dma_wait3A_1013 = tpu.memref_slice %arg6[%dma_wait3A_1009, %dma_wait3A_1011, %dma_wait3A_1012] : memref<8x104x128xf32, #tpu.memory_space<vmem>> -> memref<1x104x128xf32, #tpu.memory_space<vmem>>
      %dma_wait3A_1014 = tpu.memref_squeeze %dma_wait3A_1013 : memref<1x104x128xf32, #tpu.memory_space<vmem>> -> memref<104x128xf32, #tpu.memory_space<vmem>>
      %dma_wait3A_1015 = arith.constant 0 : i32
      %dma_wait3A_1016 = tpu.memref_slice %arg4[%add3A_992, %dma_wait3A_1015] : memref<106496x128xf32, #tpu.memory_space<hbm>> -> memref<104x128xf32, #tpu.memory_space<hbm>>
      %dma_wait3A_1017 = tpu.memref_slice %arg8[%dma_wait3A_1010] : memref<8x!tpu.dma_semaphore, #tpu.memory_space<semaphore_mem>> -> memref<1x!tpu.dma_semaphore, #tpu.memory_space<semaphore_mem>>
      %dma_wait3A_1018 = tpu.memref_squeeze %dma_wait3A_1017 : memref<1x!tpu.dma_semaphore, #tpu.memory_space<semaphore_mem>> -> memref<!tpu.dma_semaphore, #tpu.memory_space<semaphore_mem>>
      %dma_wait3A_1019 = arith.constant 0 : i32
      %dma_wait3A_1020 = tpu.memref_slice %arg4[%add3A_992, %dma_wait3A_1019] : memref<106496x128xf32, #tpu.memory_space<hbm>> -> memref<104x128xf32, #tpu.memory_space<hbm>>
      %dma_wait3A_1021 = arith.constant 0 : i32
      %dma_wait3A_1022 = arith.constant 0 : i32
      %dma_wait3A_1023 = tpu.memref_slice %arg6[%dma_wait3A_1009, %dma_wait3A_1021, %dma_wait3A_1022] : memref<8x104x128xf32, #tpu.memory_space<vmem>> -> memref<1x104x128xf32, #tpu.memory_space<vmem>>
      %dma_wait3A_1024 = tpu.memref_squeeze %dma_wait3A_1023 : memref<1x104x128xf32, #tpu.memory_space<vmem>> -> memref<104x128xf32, #tpu.memory_space<vmem>>
      tpu.wait_dma2 semaphore(%dma_wait3A_1018 : memref<!tpu.dma_semaphore, #tpu.memory_space<semaphore_mem>>) src(%dma_wait3A_1024 : memref<104x128xf32, #tpu.memory_space<vmem>>) dst(%dma_wait3A_1020 : memref<104x128xf32, #tpu.memory_space<hbm>>)
      %add3A_1025 = arith.constant 8 : i32
      %add3A_1026 = arith.addi %add3A_975, %add3A_1025 : i32
      %mul3A_1027 = arith.constant 104 : i32
      %mul3A_1028 = arith.muli %add3A_1026, %mul3A_1027 : i32
      %dma_start3A_1029 = arith.constant 7 : i32
      %dma_start3A_1030 = arith.constant 7 : i32
      %dma_start3A_1031 = arith.constant 0 : i32
      %dma_start3A_1032 = arith.constant 0 : i32
      %dma_start3A_1033 = tpu.memref_slice %arg6[%dma_start3A_1029, %dma_start3A_1031, %dma_start3A_1032] : memref<8x104x128xf32, #tpu.memory_space<vmem>> -> memref<1x104x128xf32, #tpu.memory_space<vmem>>
      %dma_start3A_1034 = tpu.memref_squeeze %dma_start3A_1033 : memref<1x104x128xf32, #tpu.memory_space<vmem>> -> memref<104x128xf32, #tpu.memory_space<vmem>>
      %dma_start3A_1035 = tpu.memref_slice %arg5[%mul3A_1028] : memref<3328xi32, #tpu.memory_space<vmem>> -> memref<104xi32, #tpu.memory_space<vmem>>
      %dma_start3A_1036 = arith.constant 0 : i32
      %dma_start3A_1037 = arith.constant 0 : i32
      %dma_start3A_1038 = tpu.memref_slice %arg3[%dma_start3A_1036, %dma_start3A_1037] : memref<100000x128xf32, #tpu.memory_space<hbm>> -> memref<100000x128xf32, #tpu.memory_space<hbm>>
      %dma_start3A_1039 = tpu.memref_slice %arg7[%dma_start3A_1030] : memref<8x!tpu.dma_semaphore, #tpu.memory_space<semaphore_mem>> -> memref<1x!tpu.dma_semaphore, #tpu.memory_space<semaphore_mem>>
      %dma_start3A_1040 = tpu.memref_squeeze %dma_start3A_1039 : memref<1x!tpu.dma_semaphore, #tpu.memory_space<semaphore_mem>> -> memref<!tpu.dma_semaphore, #tpu.memory_space<semaphore_mem>>
      tpu.enqueue_indirect_dma source(%dma_start3A_1038 : memref<100000x128xf32, #tpu.memory_space<hbm>>) target(%dma_start3A_1034 : memref<104x128xf32, #tpu.memory_space<vmem>>) offsets(%dma_start3A_1035 : memref<104xi32, #tpu.memory_space<vmem>>) semaphore(%dma_start3A_1040 : memref<!tpu.dma_semaphore, #tpu.memory_space<semaphore_mem>>)
    }
    %scan3A_112 = arith.constant 3 : i32
    %dma_wait3A = arith.constant 0 : i32
    %dma_wait3A_113 = arith.constant 0 : i32
    %dma_wait3A_114 = arith.constant 0 : i32
    %dma_wait3A_115 = arith.constant 0 : i32
    %dma_wait3A_116 = tpu.memref_slice %arg6[%dma_wait3A, %dma_wait3A_114, %dma_wait3A_115] : memref<8x104x128xf32, #tpu.memory_space<vmem>> -> memref<1x104x128xf32, #tpu.memory_space<vmem>>
    %dma_wait3A_117 = tpu.memref_squeeze %dma_wait3A_116 : memref<1x104x128xf32, #tpu.memory_space<vmem>> -> memref<104x128xf32, #tpu.memory_space<vmem>>
    %dma_wait3A_118 = arith.constant 2496 : i32
    %dma_wait3A_119 = tpu.memref_slice %arg5[%dma_wait3A_118] : memref<3328xi32, #tpu.memory_space<vmem>> -> memref<104xi32, #tpu.memory_space<vmem>>
    %dma_wait3A_120 = arith.constant 0 : i32
    %dma_wait3A_121 = arith.constant 0 : i32
    %dma_wait3A_122 = tpu.memref_slice %arg3[%dma_wait3A_120, %dma_wait3A_121] : memref<100000x128xf32, #tpu.memory_space<hbm>> -> memref<100000x128xf32, #tpu.memory_space<hbm>>
    %dma_wait3A_123 = tpu.memref_slice %arg7[%dma_wait3A_113] : memref<8x!tpu.dma_semaphore, #tpu.memory_space<semaphore_mem>> -> memref<1x!tpu.dma_semaphore, #tpu.memory_space<semaphore_mem>>
    %dma_wait3A_124 = tpu.memref_squeeze %dma_wait3A_123 : memref<1x!tpu.dma_semaphore, #tpu.memory_space<semaphore_mem>> -> memref<!tpu.dma_semaphore, #tpu.memory_space<semaphore_mem>>
    tpu.wait_indirect_dma semaphore(%dma_wait3A_124 : memref<!tpu.dma_semaphore, #tpu.memory_space<semaphore_mem>>) src(%dma_wait3A_122 : memref<100000x128xf32, #tpu.memory_space<hbm>>) dst(%dma_wait3A_117 : memref<104x128xf32, #tpu.memory_space<vmem>>)
    %add3A_125 = arith.constant 2496 : i32
    %add3A_126 = arith.addi %mul3A_4, %add3A_125 : i32
    %dma_start3A_127 = arith.constant 0 : i32
    %dma_start3A_128 = arith.constant 0 : i32
    %dma_start3A_129 = arith.constant 0 : i32
    %dma_start3A_130 = arith.constant 0 : i32
    %dma_start3A_131 = tpu.memref_slice %arg6[%dma_start3A_127, %dma_start3A_129, %dma_start3A_130] : memref<8x104x128xf32, #tpu.memory_space<vmem>> -> memref<1x104x128xf32, #tpu.memory_space<vmem>>
    %dma_start3A_132 = tpu.memref_squeeze %dma_start3A_131 : memref<1x104x128xf32, #tpu.memory_space<vmem>> -> memref<104x128xf32, #tpu.memory_space<vmem>>
    %dma_start3A_133 = arith.constant 0 : i32
    %dma_start3A_134 = tpu.memref_slice %arg4[%add3A_126, %dma_start3A_133] : memref<106496x128xf32, #tpu.memory_space<hbm>> -> memref<104x128xf32, #tpu.memory_space<hbm>>
    %dma_start3A_135 = tpu.memref_slice %arg8[%dma_start3A_128] : memref<8x!tpu.dma_semaphore, #tpu.memory_space<semaphore_mem>> -> memref<1x!tpu.dma_semaphore, #tpu.memory_space<semaphore_mem>>
    %dma_start3A_136 = tpu.memref_squeeze %dma_start3A_135 : memref<1x!tpu.dma_semaphore, #tpu.memory_space<semaphore_mem>> -> memref<!tpu.dma_semaphore, #tpu.memory_space<semaphore_mem>>
    %dma_start3A_137 = arith.constant 0 : i32
    %dma_start3A_138 = tpu.memref_slice %arg4[%add3A_126, %dma_start3A_137] : memref<106496x128xf32, #tpu.memory_space<hbm>> -> memref<104x128xf32, #tpu.memory_space<hbm>>
    %dma_start3A_139 = arith.constant 0 : i32
    %dma_start3A_140 = arith.constant 0 : i32
    %dma_start3A_141 = tpu.memref_slice %arg6[%dma_start3A_127, %dma_start3A_139, %dma_start3A_140] : memref<8x104x128xf32, #tpu.memory_space<vmem>> -> memref<1x104x128xf32, #tpu.memory_space<vmem>>
    %dma_start3A_142 = tpu.memref_squeeze %dma_start3A_141 : memref<1x104x128xf32, #tpu.memory_space<vmem>> -> memref<104x128xf32, #tpu.memory_space<vmem>>
    tpu.enqueue_dma source(%dma_start3A_142 : memref<104x128xf32, #tpu.memory_space<vmem>>) target(%dma_start3A_138 : memref<104x128xf32, #tpu.memory_space<hbm>>) target_semaphore(%dma_start3A_136 : memref<!tpu.dma_semaphore, #tpu.memory_space<semaphore_mem>>)
    %dma_wait3A_143 = arith.constant 0 : i32
    %dma_wait3A_144 = arith.constant 0 : i32
    %dma_wait3A_145 = arith.constant 0 : i32
    %dma_wait3A_146 = arith.constant 0 : i32
    %dma_wait3A_147 = tpu.memref_slice %arg6[%dma_wait3A_143, %dma_wait3A_145, %dma_wait3A_146] : memref<8x104x128xf32, #tpu.memory_space<vmem>> -> memref<1x104x128xf32, #tpu.memory_space<vmem>>
    %dma_wait3A_148 = tpu.memref_squeeze %dma_wait3A_147 : memref<1x104x128xf32, #tpu.memory_space<vmem>> -> memref<104x128xf32, #tpu.memory_space<vmem>>
    %dma_wait3A_149 = arith.constant 0 : i32
    %dma_wait3A_150 = tpu.memref_slice %arg4[%add3A_126, %dma_wait3A_149] : memref<106496x128xf32, #tpu.memory_space<hbm>> -> memref<104x128xf32, #tpu.memory_space<hbm>>
    %dma_wait3A_151 = tpu.memref_slice %arg8[%dma_wait3A_144] : memref<8x!tpu.dma_semaphore, #tpu.memory_space<semaphore_mem>> -> memref<1x!tpu.dma_semaphore, #tpu.memory_space<semaphore_mem>>
    %dma_wait3A_152 = tpu.memref_squeeze %dma_wait3A_151 : memref<1x!tpu.dma_semaphore, #tpu.memory_space<semaphore_mem>> -> memref<!tpu.dma_semaphore, #tpu.memory_space<semaphore_mem>>
    %dma_wait3A_153 = arith.constant 0 : i32
    %dma_wait3A_154 = tpu.memref_slice %arg4[%add3A_126, %dma_wait3A_153] : memref<106496x128xf32, #tpu.memory_space<hbm>> -> memref<104x128xf32, #tpu.memory_space<hbm>>
    %dma_wait3A_155 = arith.constant 0 : i32
    %dma_wait3A_156 = arith.constant 0 : i32
    %dma_wait3A_157 = tpu.memref_slice %arg6[%dma_wait3A_143, %dma_wait3A_155, %dma_wait3A_156] : memref<8x104x128xf32, #tpu.memory_space<vmem>> -> memref<1x104x128xf32, #tpu.memory_space<vmem>>
    %dma_wait3A_158 = tpu.memref_squeeze %dma_wait3A_157 : memref<1x104x128xf32, #tpu.memory_space<vmem>> -> memref<104x128xf32, #tpu.memory_space<vmem>>
    tpu.wait_dma2 semaphore(%dma_wait3A_152 : memref<!tpu.dma_semaphore, #tpu.memory_space<semaphore_mem>>) src(%dma_wait3A_158 : memref<104x128xf32, #tpu.memory_space<vmem>>) dst(%dma_wait3A_154 : memref<104x128xf32, #tpu.memory_space<hbm>>)
    %dma_wait3A_159 = arith.constant 1 : i32
    %dma_wait3A_160 = arith.constant 1 : i32
    %dma_wait3A_161 = arith.constant 0 : i32
    %dma_wait3A_162 = arith.constant 0 : i32
    %dma_wait3A_163 = tpu.memref_slice %arg6[%dma_wait3A_159, %dma_wait3A_161, %dma_wait3A_162] : memref<8x104x128xf32, #tpu.memory_space<vmem>> -> memref<1x104x128xf32, #tpu.memory_space<vmem>>
    %dma_wait3A_164 = tpu.memref_squeeze %dma_wait3A_163 : memref<1x104x128xf32, #tpu.memory_space<vmem>> -> memref<104x128xf32, #tpu.memory_space<vmem>>
    %dma_wait3A_165 = arith.constant 2600 : i32
    %dma_wait3A_166 = tpu.memref_slice %arg5[%dma_wait3A_165] : memref<3328xi32, #tpu.memory_space<vmem>> -> memref<104xi32, #tpu.memory_space<vmem>>
    %dma_wait3A_167 = arith.constant 0 : i32
    %dma_wait3A_168 = arith.constant 0 : i32
    %dma_wait3A_169 = tpu.memref_slice %arg3[%dma_wait3A_167, %dma_wait3A_168] : memref<100000x128xf32, #tpu.memory_space<hbm>> -> memref<100000x128xf32, #tpu.memory_space<hbm>>
    %dma_wait3A_170 = tpu.memref_slice %arg7[%dma_wait3A_160] : memref<8x!tpu.dma_semaphore, #tpu.memory_space<semaphore_mem>> -> memref<1x!tpu.dma_semaphore, #tpu.memory_space<semaphore_mem>>
    %dma_wait3A_171 = tpu.memref_squeeze %dma_wait3A_170 : memref<1x!tpu.dma_semaphore, #tpu.memory_space<semaphore_mem>> -> memref<!tpu.dma_semaphore, #tpu.memory_space<semaphore_mem>>
    tpu.wait_indirect_dma semaphore(%dma_wait3A_171 : memref<!tpu.dma_semaphore, #tpu.memory_space<semaphore_mem>>) src(%dma_wait3A_169 : memref<100000x128xf32, #tpu.memory_space<hbm>>) dst(%dma_wait3A_164 : memref<104x128xf32, #tpu.memory_space<vmem>>)
    %add3A_172 = arith.constant 2600 : i32
    %add3A_173 = arith.addi %mul3A_4, %add3A_172 : i32
    %dma_start3A_174 = arith.constant 1 : i32
    %dma_start3A_175 = arith.constant 1 : i32
    %dma_start3A_176 = arith.constant 0 : i32
    %dma_start3A_177 = arith.constant 0 : i32
    %dma_start3A_178 = tpu.memref_slice %arg6[%dma_start3A_174, %dma_start3A_176, %dma_start3A_177] : memref<8x104x128xf32, #tpu.memory_space<vmem>> -> memref<1x104x128xf32, #tpu.memory_space<vmem>>
    %dma_start3A_179 = tpu.memref_squeeze %dma_start3A_178 : memref<1x104x128xf32, #tpu.memory_space<vmem>> -> memref<104x128xf32, #tpu.memory_space<vmem>>
    %dma_start3A_180 = arith.constant 0 : i32
    %dma_start3A_181 = tpu.memref_slice %arg4[%add3A_173, %dma_start3A_180] : memref<106496x128xf32, #tpu.memory_space<hbm>> -> memref<104x128xf32, #tpu.memory_space<hbm>>
    %dma_start3A_182 = tpu.memref_slice %arg8[%dma_start3A_175] : memref<8x!tpu.dma_semaphore, #tpu.memory_space<semaphore_mem>> -> memref<1x!tpu.dma_semaphore, #tpu.memory_space<semaphore_mem>>
    %dma_start3A_183 = tpu.memref_squeeze %dma_start3A_182 : memref<1x!tpu.dma_semaphore, #tpu.memory_space<semaphore_mem>> -> memref<!tpu.dma_semaphore, #tpu.memory_space<semaphore_mem>>
    %dma_start3A_184 = arith.constant 0 : i32
    %dma_start3A_185 = tpu.memref_slice %arg4[%add3A_173, %dma_start3A_184] : memref<106496x128xf32, #tpu.memory_space<hbm>> -> memref<104x128xf32, #tpu.memory_space<hbm>>
    %dma_start3A_186 = arith.constant 0 : i32
    %dma_start3A_187 = arith.constant 0 : i32
    %dma_start3A_188 = tpu.memref_slice %arg6[%dma_start3A_174, %dma_start3A_186, %dma_start3A_187] : memref<8x104x128xf32, #tpu.memory_space<vmem>> -> memref<1x104x128xf32, #tpu.memory_space<vmem>>
    %dma_start3A_189 = tpu.memref_squeeze %dma_start3A_188 : memref<1x104x128xf32, #tpu.memory_space<vmem>> -> memref<104x128xf32, #tpu.memory_space<vmem>>
    tpu.enqueue_dma source(%dma_start3A_189 : memref<104x128xf32, #tpu.memory_space<vmem>>) target(%dma_start3A_185 : memref<104x128xf32, #tpu.memory_space<hbm>>) target_semaphore(%dma_start3A_183 : memref<!tpu.dma_semaphore, #tpu.memory_space<semaphore_mem>>)
    %dma_wait3A_190 = arith.constant 1 : i32
    %dma_wait3A_191 = arith.constant 1 : i32
    %dma_wait3A_192 = arith.constant 0 : i32
    %dma_wait3A_193 = arith.constant 0 : i32
    %dma_wait3A_194 = tpu.memref_slice %arg6[%dma_wait3A_190, %dma_wait3A_192, %dma_wait3A_193] : memref<8x104x128xf32, #tpu.memory_space<vmem>> -> memref<1x104x128xf32, #tpu.memory_space<vmem>>
    %dma_wait3A_195 = tpu.memref_squeeze %dma_wait3A_194 : memref<1x104x128xf32, #tpu.memory_space<vmem>> -> memref<104x128xf32, #tpu.memory_space<vmem>>
    %dma_wait3A_196 = arith.constant 0 : i32
    %dma_wait3A_197 = tpu.memref_slice %arg4[%add3A_173, %dma_wait3A_196] : memref<106496x128xf32, #tpu.memory_space<hbm>> -> memref<104x128xf32, #tpu.memory_space<hbm>>
    %dma_wait3A_198 = tpu.memref_slice %arg8[%dma_wait3A_191] : memref<8x!tpu.dma_semaphore, #tpu.memory_space<semaphore_mem>> -> memref<1x!tpu.dma_semaphore, #tpu.memory_space<semaphore_mem>>
    %dma_wait3A_199 = tpu.memref_squeeze %dma_wait3A_198 : memref<1x!tpu.dma_semaphore, #tpu.memory_space<semaphore_mem>> -> memref<!tpu.dma_semaphore, #tpu.memory_space<semaphore_mem>>
    %dma_wait3A_200 = arith.constant 0 : i32
    %dma_wait3A_201 = tpu.memref_slice %arg4[%add3A_173, %dma_wait3A_200] : memref<106496x128xf32, #tpu.memory_space<hbm>> -> memref<104x128xf32, #tpu.memory_space<hbm>>
    %dma_wait3A_202 = arith.constant 0 : i32
    %dma_wait3A_203 = arith.constant 0 : i32
    %dma_wait3A_204 = tpu.memref_slice %arg6[%dma_wait3A_190, %dma_wait3A_202, %dma_wait3A_203] : memref<8x104x128xf32, #tpu.memory_space<vmem>> -> memref<1x104x128xf32, #tpu.memory_space<vmem>>
    %dma_wait3A_205 = tpu.memref_squeeze %dma_wait3A_204 : memref<1x104x128xf32, #tpu.memory_space<vmem>> -> memref<104x128xf32, #tpu.memory_space<vmem>>
    tpu.wait_dma2 semaphore(%dma_wait3A_199 : memref<!tpu.dma_semaphore, #tpu.memory_space<semaphore_mem>>) src(%dma_wait3A_205 : memref<104x128xf32, #tpu.memory_space<vmem>>) dst(%dma_wait3A_201 : memref<104x128xf32, #tpu.memory_space<hbm>>)
    %dma_wait3A_206 = arith.constant 2 : i32
    %dma_wait3A_207 = arith.constant 2 : i32
    %dma_wait3A_208 = arith.constant 0 : i32
    %dma_wait3A_209 = arith.constant 0 : i32
    %dma_wait3A_210 = tpu.memref_slice %arg6[%dma_wait3A_206, %dma_wait3A_208, %dma_wait3A_209] : memref<8x104x128xf32, #tpu.memory_space<vmem>> -> memref<1x104x128xf32, #tpu.memory_space<vmem>>
    %dma_wait3A_211 = tpu.memref_squeeze %dma_wait3A_210 : memref<1x104x128xf32, #tpu.memory_space<vmem>> -> memref<104x128xf32, #tpu.memory_space<vmem>>
    %dma_wait3A_212 = arith.constant 2704 : i32
    %dma_wait3A_213 = tpu.memref_slice %arg5[%dma_wait3A_212] : memref<3328xi32, #tpu.memory_space<vmem>> -> memref<104xi32, #tpu.memory_space<vmem>>
    %dma_wait3A_214 = arith.constant 0 : i32
    %dma_wait3A_215 = arith.constant 0 : i32
    %dma_wait3A_216 = tpu.memref_slice %arg3[%dma_wait3A_214, %dma_wait3A_215] : memref<100000x128xf32, #tpu.memory_space<hbm>> -> memref<100000x128xf32, #tpu.memory_space<hbm>>
    %dma_wait3A_217 = tpu.memref_slice %arg7[%dma_wait3A_207] : memref<8x!tpu.dma_semaphore, #tpu.memory_space<semaphore_mem>> -> memref<1x!tpu.dma_semaphore, #tpu.memory_space<semaphore_mem>>
    %dma_wait3A_218 = tpu.memref_squeeze %dma_wait3A_217 : memref<1x!tpu.dma_semaphore, #tpu.memory_space<semaphore_mem>> -> memref<!tpu.dma_semaphore, #tpu.memory_space<semaphore_mem>>
    tpu.wait_indirect_dma semaphore(%dma_wait3A_218 : memref<!tpu.dma_semaphore, #tpu.memory_space<semaphore_mem>>) src(%dma_wait3A_216 : memref<100000x128xf32, #tpu.memory_space<hbm>>) dst(%dma_wait3A_211 : memref<104x128xf32, #tpu.memory_space<vmem>>)
    %add3A_219 = arith.constant 2704 : i32
    %add3A_220 = arith.addi %mul3A_4, %add3A_219 : i32
    %dma_start3A_221 = arith.constant 2 : i32
    %dma_start3A_222 = arith.constant 2 : i32
    %dma_start3A_223 = arith.constant 0 : i32
    %dma_start3A_224 = arith.constant 0 : i32
    %dma_start3A_225 = tpu.memref_slice %arg6[%dma_start3A_221, %dma_start3A_223, %dma_start3A_224] : memref<8x104x128xf32, #tpu.memory_space<vmem>> -> memref<1x104x128xf32, #tpu.memory_space<vmem>>
    %dma_start3A_226 = tpu.memref_squeeze %dma_start3A_225 : memref<1x104x128xf32, #tpu.memory_space<vmem>> -> memref<104x128xf32, #tpu.memory_space<vmem>>
    %dma_start3A_227 = arith.constant 0 : i32
    %dma_start3A_228 = tpu.memref_slice %arg4[%add3A_220, %dma_start3A_227] : memref<106496x128xf32, #tpu.memory_space<hbm>> -> memref<104x128xf32, #tpu.memory_space<hbm>>
    %dma_start3A_229 = tpu.memref_slice %arg8[%dma_start3A_222] : memref<8x!tpu.dma_semaphore, #tpu.memory_space<semaphore_mem>> -> memref<1x!tpu.dma_semaphore, #tpu.memory_space<semaphore_mem>>
    %dma_start3A_230 = tpu.memref_squeeze %dma_start3A_229 : memref<1x!tpu.dma_semaphore, #tpu.memory_space<semaphore_mem>> -> memref<!tpu.dma_semaphore, #tpu.memory_space<semaphore_mem>>
    %dma_start3A_231 = arith.constant 0 : i32
    %dma_start3A_232 = tpu.memref_slice %arg4[%add3A_220, %dma_start3A_231] : memref<106496x128xf32, #tpu.memory_space<hbm>> -> memref<104x128xf32, #tpu.memory_space<hbm>>
    %dma_start3A_233 = arith.constant 0 : i32
    %dma_start3A_234 = arith.constant 0 : i32
    %dma_start3A_235 = tpu.memref_slice %arg6[%dma_start3A_221, %dma_start3A_233, %dma_start3A_234] : memref<8x104x128xf32, #tpu.memory_space<vmem>> -> memref<1x104x128xf32, #tpu.memory_space<vmem>>
    %dma_start3A_236 = tpu.memref_squeeze %dma_start3A_235 : memref<1x104x128xf32, #tpu.memory_space<vmem>> -> memref<104x128xf32, #tpu.memory_space<vmem>>
    tpu.enqueue_dma source(%dma_start3A_236 : memref<104x128xf32, #tpu.memory_space<vmem>>) target(%dma_start3A_232 : memref<104x128xf32, #tpu.memory_space<hbm>>) target_semaphore(%dma_start3A_230 : memref<!tpu.dma_semaphore, #tpu.memory_space<semaphore_mem>>)
    %dma_wait3A_237 = arith.constant 2 : i32
    %dma_wait3A_238 = arith.constant 2 : i32
    %dma_wait3A_239 = arith.constant 0 : i32
    %dma_wait3A_240 = arith.constant 0 : i32
    %dma_wait3A_241 = tpu.memref_slice %arg6[%dma_wait3A_237, %dma_wait3A_239, %dma_wait3A_240] : memref<8x104x128xf32, #tpu.memory_space<vmem>> -> memref<1x104x128xf32, #tpu.memory_space<vmem>>
    %dma_wait3A_242 = tpu.memref_squeeze %dma_wait3A_241 : memref<1x104x128xf32, #tpu.memory_space<vmem>> -> memref<104x128xf32, #tpu.memory_space<vmem>>
    %dma_wait3A_243 = arith.constant 0 : i32
    %dma_wait3A_244 = tpu.memref_slice %arg4[%add3A_220, %dma_wait3A_243] : memref<106496x128xf32, #tpu.memory_space<hbm>> -> memref<104x128xf32, #tpu.memory_space<hbm>>
    %dma_wait3A_245 = tpu.memref_slice %arg8[%dma_wait3A_238] : memref<8x!tpu.dma_semaphore, #tpu.memory_space<semaphore_mem>> -> memref<1x!tpu.dma_semaphore, #tpu.memory_space<semaphore_mem>>
    %dma_wait3A_246 = tpu.memref_squeeze %dma_wait3A_245 : memref<1x!tpu.dma_semaphore, #tpu.memory_space<semaphore_mem>> -> memref<!tpu.dma_semaphore, #tpu.memory_space<semaphore_mem>>
    %dma_wait3A_247 = arith.constant 0 : i32
    %dma_wait3A_248 = tpu.memref_slice %arg4[%add3A_220, %dma_wait3A_247] : memref<106496x128xf32, #tpu.memory_space<hbm>> -> memref<104x128xf32, #tpu.memory_space<hbm>>
    %dma_wait3A_249 = arith.constant 0 : i32
    %dma_wait3A_250 = arith.constant 0 : i32
    %dma_wait3A_251 = tpu.memref_slice %arg6[%dma_wait3A_237, %dma_wait3A_249, %dma_wait3A_250] : memref<8x104x128xf32, #tpu.memory_space<vmem>> -> memref<1x104x128xf32, #tpu.memory_space<vmem>>
    %dma_wait3A_252 = tpu.memref_squeeze %dma_wait3A_251 : memref<1x104x128xf32, #tpu.memory_space<vmem>> -> memref<104x128xf32, #tpu.memory_space<vmem>>
    tpu.wait_dma2 semaphore(%dma_wait3A_246 : memref<!tpu.dma_semaphore, #tpu.memory_space<semaphore_mem>>) src(%dma_wait3A_252 : memref<104x128xf32, #tpu.memory_space<vmem>>) dst(%dma_wait3A_248 : memref<104x128xf32, #tpu.memory_space<hbm>>)
    %dma_wait3A_253 = arith.constant 3 : i32
    %dma_wait3A_254 = arith.constant 3 : i32
    %dma_wait3A_255 = arith.constant 0 : i32
    %dma_wait3A_256 = arith.constant 0 : i32
    %dma_wait3A_257 = tpu.memref_slice %arg6[%dma_wait3A_253, %dma_wait3A_255, %dma_wait3A_256] : memref<8x104x128xf32, #tpu.memory_space<vmem>> -> memref<1x104x128xf32, #tpu.memory_space<vmem>>
    %dma_wait3A_258 = tpu.memref_squeeze %dma_wait3A_257 : memref<1x104x128xf32, #tpu.memory_space<vmem>> -> memref<104x128xf32, #tpu.memory_space<vmem>>
    %dma_wait3A_259 = arith.constant 2808 : i32
    %dma_wait3A_260 = tpu.memref_slice %arg5[%dma_wait3A_259] : memref<3328xi32, #tpu.memory_space<vmem>> -> memref<104xi32, #tpu.memory_space<vmem>>
    %dma_wait3A_261 = arith.constant 0 : i32
    %dma_wait3A_262 = arith.constant 0 : i32
    %dma_wait3A_263 = tpu.memref_slice %arg3[%dma_wait3A_261, %dma_wait3A_262] : memref<100000x128xf32, #tpu.memory_space<hbm>> -> memref<100000x128xf32, #tpu.memory_space<hbm>>
    %dma_wait3A_264 = tpu.memref_slice %arg7[%dma_wait3A_254] : memref<8x!tpu.dma_semaphore, #tpu.memory_space<semaphore_mem>> -> memref<1x!tpu.dma_semaphore, #tpu.memory_space<semaphore_mem>>
    %dma_wait3A_265 = tpu.memref_squeeze %dma_wait3A_264 : memref<1x!tpu.dma_semaphore, #tpu.memory_space<semaphore_mem>> -> memref<!tpu.dma_semaphore, #tpu.memory_space<semaphore_mem>>
    tpu.wait_indirect_dma semaphore(%dma_wait3A_265 : memref<!tpu.dma_semaphore, #tpu.memory_space<semaphore_mem>>) src(%dma_wait3A_263 : memref<100000x128xf32, #tpu.memory_space<hbm>>) dst(%dma_wait3A_258 : memref<104x128xf32, #tpu.memory_space<vmem>>)
    %add3A_266 = arith.constant 2808 : i32
    %add3A_267 = arith.addi %mul3A_4, %add3A_266 : i32
    %dma_start3A_268 = arith.constant 3 : i32
    %dma_start3A_269 = arith.constant 3 : i32
    %dma_start3A_270 = arith.constant 0 : i32
    %dma_start3A_271 = arith.constant 0 : i32
    %dma_start3A_272 = tpu.memref_slice %arg6[%dma_start3A_268, %dma_start3A_270, %dma_start3A_271] : memref<8x104x128xf32, #tpu.memory_space<vmem>> -> memref<1x104x128xf32, #tpu.memory_space<vmem>>
    %dma_start3A_273 = tpu.memref_squeeze %dma_start3A_272 : memref<1x104x128xf32, #tpu.memory_space<vmem>> -> memref<104x128xf32, #tpu.memory_space<vmem>>
    %dma_start3A_274 = arith.constant 0 : i32
    %dma_start3A_275 = tpu.memref_slice %arg4[%add3A_267, %dma_start3A_274] : memref<106496x128xf32, #tpu.memory_space<hbm>> -> memref<104x128xf32, #tpu.memory_space<hbm>>
    %dma_start3A_276 = tpu.memref_slice %arg8[%dma_start3A_269] : memref<8x!tpu.dma_semaphore, #tpu.memory_space<semaphore_mem>> -> memref<1x!tpu.dma_semaphore, #tpu.memory_space<semaphore_mem>>
    %dma_start3A_277 = tpu.memref_squeeze %dma_start3A_276 : memref<1x!tpu.dma_semaphore, #tpu.memory_space<semaphore_mem>> -> memref<!tpu.dma_semaphore, #tpu.memory_space<semaphore_mem>>
    %dma_start3A_278 = arith.constant 0 : i32
    %dma_start3A_279 = tpu.memref_slice %arg4[%add3A_267, %dma_start3A_278] : memref<106496x128xf32, #tpu.memory_space<hbm>> -> memref<104x128xf32, #tpu.memory_space<hbm>>
    %dma_start3A_280 = arith.constant 0 : i32
    %dma_start3A_281 = arith.constant 0 : i32
    %dma_start3A_282 = tpu.memref_slice %arg6[%dma_start3A_268, %dma_start3A_280, %dma_start3A_281] : memref<8x104x128xf32, #tpu.memory_space<vmem>> -> memref<1x104x128xf32, #tpu.memory_space<vmem>>
    %dma_start3A_283 = tpu.memref_squeeze %dma_start3A_282 : memref<1x104x128xf32, #tpu.memory_space<vmem>> -> memref<104x128xf32, #tpu.memory_space<vmem>>
    tpu.enqueue_dma source(%dma_start3A_283 : memref<104x128xf32, #tpu.memory_space<vmem>>) target(%dma_start3A_279 : memref<104x128xf32, #tpu.memory_space<hbm>>) target_semaphore(%dma_start3A_277 : memref<!tpu.dma_semaphore, #tpu.memory_space<semaphore_mem>>)
    %dma_wait3A_284 = arith.constant 3 : i32
    %dma_wait3A_285 = arith.constant 3 : i32
    %dma_wait3A_286 = arith.constant 0 : i32
    %dma_wait3A_287 = arith.constant 0 : i32
    %dma_wait3A_288 = tpu.memref_slice %arg6[%dma_wait3A_284, %dma_wait3A_286, %dma_wait3A_287] : memref<8x104x128xf32, #tpu.memory_space<vmem>> -> memref<1x104x128xf32, #tpu.memory_space<vmem>>
    %dma_wait3A_289 = tpu.memref_squeeze %dma_wait3A_288 : memref<1x104x128xf32, #tpu.memory_space<vmem>> -> memref<104x128xf32, #tpu.memory_space<vmem>>
    %dma_wait3A_290 = arith.constant 0 : i32
    %dma_wait3A_291 = tpu.memref_slice %arg4[%add3A_267, %dma_wait3A_290] : memref<106496x128xf32, #tpu.memory_space<hbm>> -> memref<104x128xf32, #tpu.memory_space<hbm>>
    %dma_wait3A_292 = tpu.memref_slice %arg8[%dma_wait3A_285] : memref<8x!tpu.dma_semaphore, #tpu.memory_space<semaphore_mem>> -> memref<1x!tpu.dma_semaphore, #tpu.memory_space<semaphore_mem>>
    %dma_wait3A_293 = tpu.memref_squeeze %dma_wait3A_292 : memref<1x!tpu.dma_semaphore, #tpu.memory_space<semaphore_mem>> -> memref<!tpu.dma_semaphore, #tpu.memory_space<semaphore_mem>>
    %dma_wait3A_294 = arith.constant 0 : i32
    %dma_wait3A_295 = tpu.memref_slice %arg4[%add3A_267, %dma_wait3A_294] : memref<106496x128xf32, #tpu.memory_space<hbm>> -> memref<104x128xf32, #tpu.memory_space<hbm>>
    %dma_wait3A_296 = arith.constant 0 : i32
    %dma_wait3A_297 = arith.constant 0 : i32
    %dma_wait3A_298 = tpu.memref_slice %arg6[%dma_wait3A_284, %dma_wait3A_296, %dma_wait3A_297] : memref<8x104x128xf32, #tpu.memory_space<vmem>> -> memref<1x104x128xf32, #tpu.memory_space<vmem>>
    %dma_wait3A_299 = tpu.memref_squeeze %dma_wait3A_298 : memref<1x104x128xf32, #tpu.memory_space<vmem>> -> memref<104x128xf32, #tpu.memory_space<vmem>>
    tpu.wait_dma2 semaphore(%dma_wait3A_293 : memref<!tpu.dma_semaphore, #tpu.memory_space<semaphore_mem>>) src(%dma_wait3A_299 : memref<104x128xf32, #tpu.memory_space<vmem>>) dst(%dma_wait3A_295 : memref<104x128xf32, #tpu.memory_space<hbm>>)
    %dma_wait3A_300 = arith.constant 4 : i32
    %dma_wait3A_301 = arith.constant 4 : i32
    %dma_wait3A_302 = arith.constant 0 : i32
    %dma_wait3A_303 = arith.constant 0 : i32
    %dma_wait3A_304 = tpu.memref_slice %arg6[%dma_wait3A_300, %dma_wait3A_302, %dma_wait3A_303] : memref<8x104x128xf32, #tpu.memory_space<vmem>> -> memref<1x104x128xf32, #tpu.memory_space<vmem>>
    %dma_wait3A_305 = tpu.memref_squeeze %dma_wait3A_304 : memref<1x104x128xf32, #tpu.memory_space<vmem>> -> memref<104x128xf32, #tpu.memory_space<vmem>>
    %dma_wait3A_306 = arith.constant 2912 : i32
    %dma_wait3A_307 = tpu.memref_slice %arg5[%dma_wait3A_306] : memref<3328xi32, #tpu.memory_space<vmem>> -> memref<104xi32, #tpu.memory_space<vmem>>
    %dma_wait3A_308 = arith.constant 0 : i32
    %dma_wait3A_309 = arith.constant 0 : i32
    %dma_wait3A_310 = tpu.memref_slice %arg3[%dma_wait3A_308, %dma_wait3A_309] : memref<100000x128xf32, #tpu.memory_space<hbm>> -> memref<100000x128xf32, #tpu.memory_space<hbm>>
    %dma_wait3A_311 = tpu.memref_slice %arg7[%dma_wait3A_301] : memref<8x!tpu.dma_semaphore, #tpu.memory_space<semaphore_mem>> -> memref<1x!tpu.dma_semaphore, #tpu.memory_space<semaphore_mem>>
    %dma_wait3A_312 = tpu.memref_squeeze %dma_wait3A_311 : memref<1x!tpu.dma_semaphore, #tpu.memory_space<semaphore_mem>> -> memref<!tpu.dma_semaphore, #tpu.memory_space<semaphore_mem>>
    tpu.wait_indirect_dma semaphore(%dma_wait3A_312 : memref<!tpu.dma_semaphore, #tpu.memory_space<semaphore_mem>>) src(%dma_wait3A_310 : memref<100000x128xf32, #tpu.memory_space<hbm>>) dst(%dma_wait3A_305 : memref<104x128xf32, #tpu.memory_space<vmem>>)
    %add3A_313 = arith.constant 2912 : i32
    %add3A_314 = arith.addi %mul3A_4, %add3A_313 : i32
    %dma_start3A_315 = arith.constant 4 : i32
    %dma_start3A_316 = arith.constant 4 : i32
    %dma_start3A_317 = arith.constant 0 : i32
    %dma_start3A_318 = arith.constant 0 : i32
    %dma_start3A_319 = tpu.memref_slice %arg6[%dma_start3A_315, %dma_start3A_317, %dma_start3A_318] : memref<8x104x128xf32, #tpu.memory_space<vmem>> -> memref<1x104x128xf32, #tpu.memory_space<vmem>>
    %dma_start3A_320 = tpu.memref_squeeze %dma_start3A_319 : memref<1x104x128xf32, #tpu.memory_space<vmem>> -> memref<104x128xf32, #tpu.memory_space<vmem>>
    %dma_start3A_321 = arith.constant 0 : i32
    %dma_start3A_322 = tpu.memref_slice %arg4[%add3A_314, %dma_start3A_321] : memref<106496x128xf32, #tpu.memory_space<hbm>> -> memref<104x128xf32, #tpu.memory_space<hbm>>
    %dma_start3A_323 = tpu.memref_slice %arg8[%dma_start3A_316] : memref<8x!tpu.dma_semaphore, #tpu.memory_space<semaphore_mem>> -> memref<1x!tpu.dma_semaphore, #tpu.memory_space<semaphore_mem>>
    %dma_start3A_324 = tpu.memref_squeeze %dma_start3A_323 : memref<1x!tpu.dma_semaphore, #tpu.memory_space<semaphore_mem>> -> memref<!tpu.dma_semaphore, #tpu.memory_space<semaphore_mem>>
    %dma_start3A_325 = arith.constant 0 : i32
    %dma_start3A_326 = tpu.memref_slice %arg4[%add3A_314, %dma_start3A_325] : memref<106496x128xf32, #tpu.memory_space<hbm>> -> memref<104x128xf32, #tpu.memory_space<hbm>>
    %dma_start3A_327 = arith.constant 0 : i32
    %dma_start3A_328 = arith.constant 0 : i32
    %dma_start3A_329 = tpu.memref_slice %arg6[%dma_start3A_315, %dma_start3A_327, %dma_start3A_328] : memref<8x104x128xf32, #tpu.memory_space<vmem>> -> memref<1x104x128xf32, #tpu.memory_space<vmem>>
    %dma_start3A_330 = tpu.memref_squeeze %dma_start3A_329 : memref<1x104x128xf32, #tpu.memory_space<vmem>> -> memref<104x128xf32, #tpu.memory_space<vmem>>
    tpu.enqueue_dma source(%dma_start3A_330 : memref<104x128xf32, #tpu.memory_space<vmem>>) target(%dma_start3A_326 : memref<104x128xf32, #tpu.memory_space<hbm>>) target_semaphore(%dma_start3A_324 : memref<!tpu.dma_semaphore, #tpu.memory_space<semaphore_mem>>)
    %dma_wait3A_331 = arith.constant 4 : i32
    %dma_wait3A_332 = arith.constant 4 : i32
    %dma_wait3A_333 = arith.constant 0 : i32
    %dma_wait3A_334 = arith.constant 0 : i32
    %dma_wait3A_335 = tpu.memref_slice %arg6[%dma_wait3A_331, %dma_wait3A_333, %dma_wait3A_334] : memref<8x104x128xf32, #tpu.memory_space<vmem>> -> memref<1x104x128xf32, #tpu.memory_space<vmem>>
    %dma_wait3A_336 = tpu.memref_squeeze %dma_wait3A_335 : memref<1x104x128xf32, #tpu.memory_space<vmem>> -> memref<104x128xf32, #tpu.memory_space<vmem>>
    %dma_wait3A_337 = arith.constant 0 : i32
    %dma_wait3A_338 = tpu.memref_slice %arg4[%add3A_314, %dma_wait3A_337] : memref<106496x128xf32, #tpu.memory_space<hbm>> -> memref<104x128xf32, #tpu.memory_space<hbm>>
    %dma_wait3A_339 = tpu.memref_slice %arg8[%dma_wait3A_332] : memref<8x!tpu.dma_semaphore, #tpu.memory_space<semaphore_mem>> -> memref<1x!tpu.dma_semaphore, #tpu.memory_space<semaphore_mem>>
    %dma_wait3A_340 = tpu.memref_squeeze %dma_wait3A_339 : memref<1x!tpu.dma_semaphore, #tpu.memory_space<semaphore_mem>> -> memref<!tpu.dma_semaphore, #tpu.memory_space<semaphore_mem>>
    %dma_wait3A_341 = arith.constant 0 : i32
    %dma_wait3A_342 = tpu.memref_slice %arg4[%add3A_314, %dma_wait3A_341] : memref<106496x128xf32, #tpu.memory_space<hbm>> -> memref<104x128xf32, #tpu.memory_space<hbm>>
    %dma_wait3A_343 = arith.constant 0 : i32
    %dma_wait3A_344 = arith.constant 0 : i32
    %dma_wait3A_345 = tpu.memref_slice %arg6[%dma_wait3A_331, %dma_wait3A_343, %dma_wait3A_344] : memref<8x104x128xf32, #tpu.memory_space<vmem>> -> memref<1x104x128xf32, #tpu.memory_space<vmem>>
    %dma_wait3A_346 = tpu.memref_squeeze %dma_wait3A_345 : memref<1x104x128xf32, #tpu.memory_space<vmem>> -> memref<104x128xf32, #tpu.memory_space<vmem>>
    tpu.wait_dma2 semaphore(%dma_wait3A_340 : memref<!tpu.dma_semaphore, #tpu.memory_space<semaphore_mem>>) src(%dma_wait3A_346 : memref<104x128xf32, #tpu.memory_space<vmem>>) dst(%dma_wait3A_342 : memref<104x128xf32, #tpu.memory_space<hbm>>)
    %dma_wait3A_347 = arith.constant 5 : i32
    %dma_wait3A_348 = arith.constant 5 : i32
    %dma_wait3A_349 = arith.constant 0 : i32
    %dma_wait3A_350 = arith.constant 0 : i32
    %dma_wait3A_351 = tpu.memref_slice %arg6[%dma_wait3A_347, %dma_wait3A_349, %dma_wait3A_350] : memref<8x104x128xf32, #tpu.memory_space<vmem>> -> memref<1x104x128xf32, #tpu.memory_space<vmem>>
    %dma_wait3A_352 = tpu.memref_squeeze %dma_wait3A_351 : memref<1x104x128xf32, #tpu.memory_space<vmem>> -> memref<104x128xf32, #tpu.memory_space<vmem>>
    %dma_wait3A_353 = arith.constant 3016 : i32
    %dma_wait3A_354 = tpu.memref_slice %arg5[%dma_wait3A_353] : memref<3328xi32, #tpu.memory_space<vmem>> -> memref<104xi32, #tpu.memory_space<vmem>>
    %dma_wait3A_355 = arith.constant 0 : i32
    %dma_wait3A_356 = arith.constant 0 : i32
    %dma_wait3A_357 = tpu.memref_slice %arg3[%dma_wait3A_355, %dma_wait3A_356] : memref<100000x128xf32, #tpu.memory_space<hbm>> -> memref<100000x128xf32, #tpu.memory_space<hbm>>
    %dma_wait3A_358 = tpu.memref_slice %arg7[%dma_wait3A_348] : memref<8x!tpu.dma_semaphore, #tpu.memory_space<semaphore_mem>> -> memref<1x!tpu.dma_semaphore, #tpu.memory_space<semaphore_mem>>
    %dma_wait3A_359 = tpu.memref_squeeze %dma_wait3A_358 : memref<1x!tpu.dma_semaphore, #tpu.memory_space<semaphore_mem>> -> memref<!tpu.dma_semaphore, #tpu.memory_space<semaphore_mem>>
    tpu.wait_indirect_dma semaphore(%dma_wait3A_359 : memref<!tpu.dma_semaphore, #tpu.memory_space<semaphore_mem>>) src(%dma_wait3A_357 : memref<100000x128xf32, #tpu.memory_space<hbm>>) dst(%dma_wait3A_352 : memref<104x128xf32, #tpu.memory_space<vmem>>)
    %add3A_360 = arith.constant 3016 : i32
    %add3A_361 = arith.addi %mul3A_4, %add3A_360 : i32
    %dma_start3A_362 = arith.constant 5 : i32
    %dma_start3A_363 = arith.constant 5 : i32
    %dma_start3A_364 = arith.constant 0 : i32
    %dma_start3A_365 = arith.constant 0 : i32
    %dma_start3A_366 = tpu.memref_slice %arg6[%dma_start3A_362, %dma_start3A_364, %dma_start3A_365] : memref<8x104x128xf32, #tpu.memory_space<vmem>> -> memref<1x104x128xf32, #tpu.memory_space<vmem>>
    %dma_start3A_367 = tpu.memref_squeeze %dma_start3A_366 : memref<1x104x128xf32, #tpu.memory_space<vmem>> -> memref<104x128xf32, #tpu.memory_space<vmem>>
    %dma_start3A_368 = arith.constant 0 : i32
    %dma_start3A_369 = tpu.memref_slice %arg4[%add3A_361, %dma_start3A_368] : memref<106496x128xf32, #tpu.memory_space<hbm>> -> memref<104x128xf32, #tpu.memory_space<hbm>>
    %dma_start3A_370 = tpu.memref_slice %arg8[%dma_start3A_363] : memref<8x!tpu.dma_semaphore, #tpu.memory_space<semaphore_mem>> -> memref<1x!tpu.dma_semaphore, #tpu.memory_space<semaphore_mem>>
    %dma_start3A_371 = tpu.memref_squeeze %dma_start3A_370 : memref<1x!tpu.dma_semaphore, #tpu.memory_space<semaphore_mem>> -> memref<!tpu.dma_semaphore, #tpu.memory_space<semaphore_mem>>
    %dma_start3A_372 = arith.constant 0 : i32
    %dma_start3A_373 = tpu.memref_slice %arg4[%add3A_361, %dma_start3A_372] : memref<106496x128xf32, #tpu.memory_space<hbm>> -> memref<104x128xf32, #tpu.memory_space<hbm>>
    %dma_start3A_374 = arith.constant 0 : i32
    %dma_start3A_375 = arith.constant 0 : i32
    %dma_start3A_376 = tpu.memref_slice %arg6[%dma_start3A_362, %dma_start3A_374, %dma_start3A_375] : memref<8x104x128xf32, #tpu.memory_space<vmem>> -> memref<1x104x128xf32, #tpu.memory_space<vmem>>
    %dma_start3A_377 = tpu.memref_squeeze %dma_start3A_376 : memref<1x104x128xf32, #tpu.memory_space<vmem>> -> memref<104x128xf32, #tpu.memory_space<vmem>>
    tpu.enqueue_dma source(%dma_start3A_377 : memref<104x128xf32, #tpu.memory_space<vmem>>) target(%dma_start3A_373 : memref<104x128xf32, #tpu.memory_space<hbm>>) target_semaphore(%dma_start3A_371 : memref<!tpu.dma_semaphore, #tpu.memory_space<semaphore_mem>>)
    %dma_wait3A_378 = arith.constant 5 : i32
    %dma_wait3A_379 = arith.constant 5 : i32
    %dma_wait3A_380 = arith.constant 0 : i32
    %dma_wait3A_381 = arith.constant 0 : i32
    %dma_wait3A_382 = tpu.memref_slice %arg6[%dma_wait3A_378, %dma_wait3A_380, %dma_wait3A_381] : memref<8x104x128xf32, #tpu.memory_space<vmem>> -> memref<1x104x128xf32, #tpu.memory_space<vmem>>
    %dma_wait3A_383 = tpu.memref_squeeze %dma_wait3A_382 : memref<1x104x128xf32, #tpu.memory_space<vmem>> -> memref<104x128xf32, #tpu.memory_space<vmem>>
    %dma_wait3A_384 = arith.constant 0 : i32
    %dma_wait3A_385 = tpu.memref_slice %arg4[%add3A_361, %dma_wait3A_384] : memref<106496x128xf32, #tpu.memory_space<hbm>> -> memref<104x128xf32, #tpu.memory_space<hbm>>
    %dma_wait3A_386 = tpu.memref_slice %arg8[%dma_wait3A_379] : memref<8x!tpu.dma_semaphore, #tpu.memory_space<semaphore_mem>> -> memref<1x!tpu.dma_semaphore, #tpu.memory_space<semaphore_mem>>
    %dma_wait3A_387 = tpu.memref_squeeze %dma_wait3A_386 : memref<1x!tpu.dma_semaphore, #tpu.memory_space<semaphore_mem>> -> memref<!tpu.dma_semaphore, #tpu.memory_space<semaphore_mem>>
    %dma_wait3A_388 = arith.constant 0 : i32
    %dma_wait3A_389 = tpu.memref_slice %arg4[%add3A_361, %dma_wait3A_388] : memref<106496x128xf32, #tpu.memory_space<hbm>> -> memref<104x128xf32, #tpu.memory_space<hbm>>
    %dma_wait3A_390 = arith.constant 0 : i32
    %dma_wait3A_391 = arith.constant 0 : i32
    %dma_wait3A_392 = tpu.memref_slice %arg6[%dma_wait3A_378, %dma_wait3A_390, %dma_wait3A_391] : memref<8x104x128xf32, #tpu.memory_space<vmem>> -> memref<1x104x128xf32, #tpu.memory_space<vmem>>
    %dma_wait3A_393 = tpu.memref_squeeze %dma_wait3A_392 : memref<1x104x128xf32, #tpu.memory_space<vmem>> -> memref<104x128xf32, #tpu.memory_space<vmem>>
    tpu.wait_dma2 semaphore(%dma_wait3A_387 : memref<!tpu.dma_semaphore, #tpu.memory_space<semaphore_mem>>) src(%dma_wait3A_393 : memref<104x128xf32, #tpu.memory_space<vmem>>) dst(%dma_wait3A_389 : memref<104x128xf32, #tpu.memory_space<hbm>>)
    %dma_wait3A_394 = arith.constant 6 : i32
    %dma_wait3A_395 = arith.constant 6 : i32
    %dma_wait3A_396 = arith.constant 0 : i32
    %dma_wait3A_397 = arith.constant 0 : i32
    %dma_wait3A_398 = tpu.memref_slice %arg6[%dma_wait3A_394, %dma_wait3A_396, %dma_wait3A_397] : memref<8x104x128xf32, #tpu.memory_space<vmem>> -> memref<1x104x128xf32, #tpu.memory_space<vmem>>
    %dma_wait3A_399 = tpu.memref_squeeze %dma_wait3A_398 : memref<1x104x128xf32, #tpu.memory_space<vmem>> -> memref<104x128xf32, #tpu.memory_space<vmem>>
    %dma_wait3A_400 = arith.constant 3120 : i32
    %dma_wait3A_401 = tpu.memref_slice %arg5[%dma_wait3A_400] : memref<3328xi32, #tpu.memory_space<vmem>> -> memref<104xi32, #tpu.memory_space<vmem>>
    %dma_wait3A_402 = arith.constant 0 : i32
    %dma_wait3A_403 = arith.constant 0 : i32
    %dma_wait3A_404 = tpu.memref_slice %arg3[%dma_wait3A_402, %dma_wait3A_403] : memref<100000x128xf32, #tpu.memory_space<hbm>> -> memref<100000x128xf32, #tpu.memory_space<hbm>>
    %dma_wait3A_405 = tpu.memref_slice %arg7[%dma_wait3A_395] : memref<8x!tpu.dma_semaphore, #tpu.memory_space<semaphore_mem>> -> memref<1x!tpu.dma_semaphore, #tpu.memory_space<semaphore_mem>>
    %dma_wait3A_406 = tpu.memref_squeeze %dma_wait3A_405 : memref<1x!tpu.dma_semaphore, #tpu.memory_space<semaphore_mem>> -> memref<!tpu.dma_semaphore, #tpu.memory_space<semaphore_mem>>
    tpu.wait_indirect_dma semaphore(%dma_wait3A_406 : memref<!tpu.dma_semaphore, #tpu.memory_space<semaphore_mem>>) src(%dma_wait3A_404 : memref<100000x128xf32, #tpu.memory_space<hbm>>) dst(%dma_wait3A_399 : memref<104x128xf32, #tpu.memory_space<vmem>>)
    %add3A_407 = arith.constant 3120 : i32
    %add3A_408 = arith.addi %mul3A_4, %add3A_407 : i32
    %dma_start3A_409 = arith.constant 6 : i32
    %dma_start3A_410 = arith.constant 6 : i32
    %dma_start3A_411 = arith.constant 0 : i32
    %dma_start3A_412 = arith.constant 0 : i32
    %dma_start3A_413 = tpu.memref_slice %arg6[%dma_start3A_409, %dma_start3A_411, %dma_start3A_412] : memref<8x104x128xf32, #tpu.memory_space<vmem>> -> memref<1x104x128xf32, #tpu.memory_space<vmem>>
    %dma_start3A_414 = tpu.memref_squeeze %dma_start3A_413 : memref<1x104x128xf32, #tpu.memory_space<vmem>> -> memref<104x128xf32, #tpu.memory_space<vmem>>
    %dma_start3A_415 = arith.constant 0 : i32
    %dma_start3A_416 = tpu.memref_slice %arg4[%add3A_408, %dma_start3A_415] : memref<106496x128xf32, #tpu.memory_space<hbm>> -> memref<104x128xf32, #tpu.memory_space<hbm>>
    %dma_start3A_417 = tpu.memref_slice %arg8[%dma_start3A_410] : memref<8x!tpu.dma_semaphore, #tpu.memory_space<semaphore_mem>> -> memref<1x!tpu.dma_semaphore, #tpu.memory_space<semaphore_mem>>
    %dma_start3A_418 = tpu.memref_squeeze %dma_start3A_417 : memref<1x!tpu.dma_semaphore, #tpu.memory_space<semaphore_mem>> -> memref<!tpu.dma_semaphore, #tpu.memory_space<semaphore_mem>>
    %dma_start3A_419 = arith.constant 0 : i32
    %dma_start3A_420 = tpu.memref_slice %arg4[%add3A_408, %dma_start3A_419] : memref<106496x128xf32, #tpu.memory_space<hbm>> -> memref<104x128xf32, #tpu.memory_space<hbm>>
    %dma_start3A_421 = arith.constant 0 : i32
    %dma_start3A_422 = arith.constant 0 : i32
    %dma_start3A_423 = tpu.memref_slice %arg6[%dma_start3A_409, %dma_start3A_421, %dma_start3A_422] : memref<8x104x128xf32, #tpu.memory_space<vmem>> -> memref<1x104x128xf32, #tpu.memory_space<vmem>>
    %dma_start3A_424 = tpu.memref_squeeze %dma_start3A_423 : memref<1x104x128xf32, #tpu.memory_space<vmem>> -> memref<104x128xf32, #tpu.memory_space<vmem>>
    tpu.enqueue_dma source(%dma_start3A_424 : memref<104x128xf32, #tpu.memory_space<vmem>>) target(%dma_start3A_420 : memref<104x128xf32, #tpu.memory_space<hbm>>) target_semaphore(%dma_start3A_418 : memref<!tpu.dma_semaphore, #tpu.memory_space<semaphore_mem>>)
    %dma_wait3A_425 = arith.constant 6 : i32
    %dma_wait3A_426 = arith.constant 6 : i32
    %dma_wait3A_427 = arith.constant 0 : i32
    %dma_wait3A_428 = arith.constant 0 : i32
    %dma_wait3A_429 = tpu.memref_slice %arg6[%dma_wait3A_425, %dma_wait3A_427, %dma_wait3A_428] : memref<8x104x128xf32, #tpu.memory_space<vmem>> -> memref<1x104x128xf32, #tpu.memory_space<vmem>>
    %dma_wait3A_430 = tpu.memref_squeeze %dma_wait3A_429 : memref<1x104x128xf32, #tpu.memory_space<vmem>> -> memref<104x128xf32, #tpu.memory_space<vmem>>
    %dma_wait3A_431 = arith.constant 0 : i32
    %dma_wait3A_432 = tpu.memref_slice %arg4[%add3A_408, %dma_wait3A_431] : memref<106496x128xf32, #tpu.memory_space<hbm>> -> memref<104x128xf32, #tpu.memory_space<hbm>>
    %dma_wait3A_433 = tpu.memref_slice %arg8[%dma_wait3A_426] : memref<8x!tpu.dma_semaphore, #tpu.memory_space<semaphore_mem>> -> memref<1x!tpu.dma_semaphore, #tpu.memory_space<semaphore_mem>>
    %dma_wait3A_434 = tpu.memref_squeeze %dma_wait3A_433 : memref<1x!tpu.dma_semaphore, #tpu.memory_space<semaphore_mem>> -> memref<!tpu.dma_semaphore, #tpu.memory_space<semaphore_mem>>
    %dma_wait3A_435 = arith.constant 0 : i32
    %dma_wait3A_436 = tpu.memref_slice %arg4[%add3A_408, %dma_wait3A_435] : memref<106496x128xf32, #tpu.memory_space<hbm>> -> memref<104x128xf32, #tpu.memory_space<hbm>>
    %dma_wait3A_437 = arith.constant 0 : i32
    %dma_wait3A_438 = arith.constant 0 : i32
    %dma_wait3A_439 = tpu.memref_slice %arg6[%dma_wait3A_425, %dma_wait3A_437, %dma_wait3A_438] : memref<8x104x128xf32, #tpu.memory_space<vmem>> -> memref<1x104x128xf32, #tpu.memory_space<vmem>>
    %dma_wait3A_440 = tpu.memref_squeeze %dma_wait3A_439 : memref<1x104x128xf32, #tpu.memory_space<vmem>> -> memref<104x128xf32, #tpu.memory_space<vmem>>
    tpu.wait_dma2 semaphore(%dma_wait3A_434 : memref<!tpu.dma_semaphore, #tpu.memory_space<semaphore_mem>>) src(%dma_wait3A_440 : memref<104x128xf32, #tpu.memory_space<vmem>>) dst(%dma_wait3A_436 : memref<104x128xf32, #tpu.memory_space<hbm>>)
    %dma_wait3A_441 = arith.constant 7 : i32
    %dma_wait3A_442 = arith.constant 7 : i32
    %dma_wait3A_443 = arith.constant 0 : i32
    %dma_wait3A_444 = arith.constant 0 : i32
    %dma_wait3A_445 = tpu.memref_slice %arg6[%dma_wait3A_441, %dma_wait3A_443, %dma_wait3A_444] : memref<8x104x128xf32, #tpu.memory_space<vmem>> -> memref<1x104x128xf32, #tpu.memory_space<vmem>>
    %dma_wait3A_446 = tpu.memref_squeeze %dma_wait3A_445 : memref<1x104x128xf32, #tpu.memory_space<vmem>> -> memref<104x128xf32, #tpu.memory_space<vmem>>
    %dma_wait3A_447 = arith.constant 3224 : i32
    %dma_wait3A_448 = tpu.memref_slice %arg5[%dma_wait3A_447] : memref<3328xi32, #tpu.memory_space<vmem>> -> memref<104xi32, #tpu.memory_space<vmem>>
    %dma_wait3A_449 = arith.constant 0 : i32
    %dma_wait3A_450 = arith.constant 0 : i32
    %dma_wait3A_451 = tpu.memref_slice %arg3[%dma_wait3A_449, %dma_wait3A_450] : memref<100000x128xf32, #tpu.memory_space<hbm>> -> memref<100000x128xf32, #tpu.memory_space<hbm>>
    %dma_wait3A_452 = tpu.memref_slice %arg7[%dma_wait3A_442] : memref<8x!tpu.dma_semaphore, #tpu.memory_space<semaphore_mem>> -> memref<1x!tpu.dma_semaphore, #tpu.memory_space<semaphore_mem>>
    %dma_wait3A_453 = tpu.memref_squeeze %dma_wait3A_452 : memref<1x!tpu.dma_semaphore, #tpu.memory_space<semaphore_mem>> -> memref<!tpu.dma_semaphore, #tpu.memory_space<semaphore_mem>>
    tpu.wait_indirect_dma semaphore(%dma_wait3A_453 : memref<!tpu.dma_semaphore, #tpu.memory_space<semaphore_mem>>) src(%dma_wait3A_451 : memref<100000x128xf32, #tpu.memory_space<hbm>>) dst(%dma_wait3A_446 : memref<104x128xf32, #tpu.memory_space<vmem>>)
    %add3A_454 = arith.constant 3224 : i32
    %add3A_455 = arith.addi %mul3A_4, %add3A_454 : i32
    %dma_start3A_456 = arith.constant 7 : i32
    %dma_start3A_457 = arith.constant 7 : i32
    %dma_start3A_458 = arith.constant 0 : i32
    %dma_start3A_459 = arith.constant 0 : i32
    %dma_start3A_460 = tpu.memref_slice %arg6[%dma_start3A_456, %dma_start3A_458, %dma_start3A_459] : memref<8x104x128xf32, #tpu.memory_space<vmem>> -> memref<1x104x128xf32, #tpu.memory_space<vmem>>
    %dma_start3A_461 = tpu.memref_squeeze %dma_start3A_460 : memref<1x104x128xf32, #tpu.memory_space<vmem>> -> memref<104x128xf32, #tpu.memory_space<vmem>>
    %dma_start3A_462 = arith.constant 0 : i32
    %dma_start3A_463 = tpu.memref_slice %arg4[%add3A_455, %dma_start3A_462] : memref<106496x128xf32, #tpu.memory_space<hbm>> -> memref<104x128xf32, #tpu.memory_space<hbm>>
    %dma_start3A_464 = tpu.memref_slice %arg8[%dma_start3A_457] : memref<8x!tpu.dma_semaphore, #tpu.memory_space<semaphore_mem>> -> memref<1x!tpu.dma_semaphore, #tpu.memory_space<semaphore_mem>>
    %dma_start3A_465 = tpu.memref_squeeze %dma_start3A_464 : memref<1x!tpu.dma_semaphore, #tpu.memory_space<semaphore_mem>> -> memref<!tpu.dma_semaphore, #tpu.memory_space<semaphore_mem>>
    %dma_start3A_466 = arith.constant 0 : i32
    %dma_start3A_467 = tpu.memref_slice %arg4[%add3A_455, %dma_start3A_466] : memref<106496x128xf32, #tpu.memory_space<hbm>> -> memref<104x128xf32, #tpu.memory_space<hbm>>
    %dma_start3A_468 = arith.constant 0 : i32
    %dma_start3A_469 = arith.constant 0 : i32
    %dma_start3A_470 = tpu.memref_slice %arg6[%dma_start3A_456, %dma_start3A_468, %dma_start3A_469] : memref<8x104x128xf32, #tpu.memory_space<vmem>> -> memref<1x104x128xf32, #tpu.memory_space<vmem>>
    %dma_start3A_471 = tpu.memref_squeeze %dma_start3A_470 : memref<1x104x128xf32, #tpu.memory_space<vmem>> -> memref<104x128xf32, #tpu.memory_space<vmem>>
    tpu.enqueue_dma source(%dma_start3A_471 : memref<104x128xf32, #tpu.memory_space<vmem>>) target(%dma_start3A_467 : memref<104x128xf32, #tpu.memory_space<hbm>>) target_semaphore(%dma_start3A_465 : memref<!tpu.dma_semaphore, #tpu.memory_space<semaphore_mem>>)
    %dma_wait3A_472 = arith.constant 7 : i32
    %dma_wait3A_473 = arith.constant 7 : i32
    %dma_wait3A_474 = arith.constant 0 : i32
    %dma_wait3A_475 = arith.constant 0 : i32
    %dma_wait3A_476 = tpu.memref_slice %arg6[%dma_wait3A_472, %dma_wait3A_474, %dma_wait3A_475] : memref<8x104x128xf32, #tpu.memory_space<vmem>> -> memref<1x104x128xf32, #tpu.memory_space<vmem>>
    %dma_wait3A_477 = tpu.memref_squeeze %dma_wait3A_476 : memref<1x104x128xf32, #tpu.memory_space<vmem>> -> memref<104x128xf32, #tpu.memory_space<vmem>>
    %dma_wait3A_478 = arith.constant 0 : i32
    %dma_wait3A_479 = tpu.memref_slice %arg4[%add3A_455, %dma_wait3A_478] : memref<106496x128xf32, #tpu.memory_space<hbm>> -> memref<104x128xf32, #tpu.memory_space<hbm>>
    %dma_wait3A_480 = tpu.memref_slice %arg8[%dma_wait3A_473] : memref<8x!tpu.dma_semaphore, #tpu.memory_space<semaphore_mem>> -> memref<1x!tpu.dma_semaphore, #tpu.memory_space<semaphore_mem>>
    %dma_wait3A_481 = tpu.memref_squeeze %dma_wait3A_480 : memref<1x!tpu.dma_semaphore, #tpu.memory_space<semaphore_mem>> -> memref<!tpu.dma_semaphore, #tpu.memory_space<semaphore_mem>>
    %dma_wait3A_482 = arith.constant 0 : i32
    %dma_wait3A_483 = tpu.memref_slice %arg4[%add3A_455, %dma_wait3A_482] : memref<106496x128xf32, #tpu.memory_space<hbm>> -> memref<104x128xf32, #tpu.memory_space<hbm>>
    %dma_wait3A_484 = arith.constant 0 : i32
    %dma_wait3A_485 = arith.constant 0 : i32
    %dma_wait3A_486 = tpu.memref_slice %arg6[%dma_wait3A_472, %dma_wait3A_484, %dma_wait3A_485] : memref<8x104x128xf32, #tpu.memory_space<vmem>> -> memref<1x104x128xf32, #tpu.memory_space<vmem>>
    %dma_wait3A_487 = tpu.memref_squeeze %dma_wait3A_486 : memref<1x104x128xf32, #tpu.memory_space<vmem>> -> memref<104x128xf32, #tpu.memory_space<vmem>>
    tpu.wait_dma2 semaphore(%dma_wait3A_481 : memref<!tpu.dma_semaphore, #tpu.memory_space<semaphore_mem>>) src(%dma_wait3A_487 : memref<104x128xf32, #tpu.memory_space<vmem>>) dst(%dma_wait3A_483 : memref<104x128xf32, #tpu.memory_space<hbm>>)
    return
  }
}

</mosaic_0001>

<sc_bundles>
// kernel: _gather.3.cloned.1.call-start
scs
__scs_entry_jumppad:
0x0: {  	(pc) =	sbr.rel $0x88, $3  }
0x1: {  	(tag) =	ssettag $0x0;
	lr =	simm.s32 $0x1  }
0x2: {  	[smem:$0x3F9F] =	sst lr;
	_ =	strace $0xD0000000  }
0x3: {  	_ = 	snop  }
0x4: {  	_ = 	snop  }
0x5: {  	_ = 	snop  }
0x6: {  	_ = 	snop  }
0x7: {  	_ = 	snop  }
__scs_overlays_trampoline_lowered:
0x8: {  	[smem:$0x3FAE] =	sst s0  }
0x9: {  	[smem:$0x3FAF] =	sst s1  }
0xa: {  	[smem:$0x3FB0] =	sst s2  }
0xb: {  	[smem:$0x3FB1] =	sst s3  }
0xc: {  	[smem:$0x3FB2] =	sst s4  }
0xd: {  	[smem:$0x3FB3] =	sst s5  }
0xe: {  	[smem:$0x3FB4] =	sst s6  }
0xf: {  	[smem:$0x3FB5] =	sst s7  }
0x10: {  	[smem:$0x3FB6] =	sst s8  }
0x11: {  	[smem:$0x3FB7] =	sst s9;
	s0 =	simm.s32 @!p0 $0x0  }
0x12: {  	s1 =	sld [smem:$0x3F9D];
	s0 =	simm.s32 @p0 $0x1  }
0x13: {  	[smem:$0x3FB8] =	sst s0;
	s0 =	simm.s32 @!p1 $0x0  }
0x14: {  	s2 =	sld [smem:$0x3F9C];
	s0 =	simm.s32 @p1 $0x1  }
0x15: {  	[smem:$0x3FB9] =	sst s0;
	s0 =	simm.s32 @!p2 $0x0  }
0x16: {  	s3 =	sld [smem:$0x3FDB];
	s0 =	simm.s32 @p2 $0x1  }
0x17: {  	s4 =	simm.s32 $0x1BF5;
	[smem:$0x3FBB] =	sst s0  }
0x18: {  	s0 =	sld [smem:$0x3F9E];
	_ =	swait.ge [sflag:s4], $0x0  }
0x19: {  	s7 =	sld [smem:$0x3F9F]  }
0x1a: {  	s8 =	sadd.s32 $0xFFFFE003, lr  }
0x1b: {  	s9 =	sadd.s32 $0xFFFFFEF7, lr;
	s5 =	simm.s32 $0xFFFFFFFF;
	p2 =	slt.u32 s8, $0xFFFFF086  }
0x1c: {  	p1 =	slt.u32 s9, $0xF7A;
	s5 =	simm.s32 @!p2 $0x0  }
0x1d: {  	s5 =	simm.s32 @p1 $0x1;
	p0 =	seq.s32 s7, s2  }
0x1e: {  	s7 =	smul.u32 @!p0 $0xF7A, s2;
	p2 =	seq.s32 @!p0 s5, $0x0  }
0x1f: {  	s9 =	smul.u32 $0xF7A, s1;
	s8 =	simm.s32 @!p0 $0x1BF5;
	p2 =	por !p2, p0  }
0x20: {  	[sflag:s8] =	ssyncset.s32 @!p0 $0xFFFFF086;
	s6 =	sadd.s32 @!p0 s3, s7;
	s7 =	simm.s32 @!p0 $0x108  }
0x21: {  	s3 =	sadd.s32 s3, s9;
	s6 =	sadd.s32 @!p0 $0x88, s6;
	s7 =	simm.s32 @p2 $0x1082  }
0x22: {  	[simem:s7], [sflag:s8] =	dma.local @!p0 [hbm:s6], $0xF7A  }
0x23: {  	s9 =	sor.u32 $0xD0000000, s2;
	s6 =	simm.s32 $0x108;
	_ =	swait.ge @!p0 [sflag:s8], $0x0  }
0x24: {  	s3 =	sadd.s32 $0x88, s3;
	s6 =	simm.s32 @!p1 $0x1082;
	[sflag:s4] =	ssyncset.s32 $0xFFFFF086  }
0x25: {  	[simem:s6], [sflag:s4] =	dma.local [hbm:s3], $0xF7A  }
0x26: {  	[smem:$0x3F9F] =	sst s1;
	(tag) =	ssettag s2;
	_ =	strace s9  }
0x27: {  	s1 =	sld [smem:$0x3FAF]  }
0x28: {  	s2 =	sld [smem:$0x3FB0]  }
0x29: {  	s4 =	sld [smem:$0x3FB2]  }
0x2a: {  	p0 =	seq.s32 s5, $0x0;
	s5 =	sld [smem:$0x3FB3]  }
0x2b: {  	s6 =	sld [smem:$0x3FB4]  }
0x2c: {  	s7 =	sld [smem:$0x3FB5]  }
0x2d: {  	s3 =	simm.s32 $0x108;
	s8 =	sld [smem:$0x3FB6]  }
0x2e: {  	s3 =	simm.s32 @!p0 $0x1082;
	s9 =	sld [smem:$0x3FB7]  }
0x2f: {  	lr =	sadd.s32 s0, s3;
	s0 =	sld [smem:$0x3FAE]  }
0x30: {  	s3 =	sld [smem:$0x3FB1]  }
0x31: {  	[smem:$0x3FBA] =	sst s10  }
0x32: {  	s10 =	sld [smem:$0x3FB8];
	_ =	sdelay $0x3  }
0x33: {  	p0 =	seq.s32 s10, $0x1;
	s10 =	sld [smem:$0x3FBA];
	_ =	sdelay $0x3  }
0x34: {  	[smem:$0x3FBA] =	sst s10  }
0x35: {  	s10 =	sld [smem:$0x3FB9];
	_ =	sdelay $0x3  }
0x36: {  	p1 =	seq.s32 s10, $0x1;
	s10 =	sld [smem:$0x3FBA];
	_ =	sdelay $0x3  }
0x37: {  	[smem:$0x3FBA] =	sst s10  }
0x38: {  	s10 =	sld [smem:$0x3FBB]  }
0x39: {  	_ = 	snop;
	(pc) =	sbr.ind lr, $3  }
0x3a: {  	_ = 	snop  }
0x3b: {  	_ = 	snop  }
0x3c: {  	p2 =	seq.s32 s10, $0x1;
	s10 =	sld [smem:$0x3FBA]  }
0x3d: {  	_ =	shalt  }
0x3e: {  	_ =	shalt  }
0x3f: {  	_ =	shalt  }
0x40: {  	_ =	shalt  }
0x41: {  	_ =	shalt  }
0x42: {  	_ =	shalt  }
0x43: {  	_ =	shalt  }
0x44: {  	_ =	shalt  }
0x45: {  	_ =	shalt  }
0x46: {  	_ =	shalt  }
0x47: {  	_ =	shalt  }
0x48: {  	_ =	shalt  }
0x49: {  	_ =	shalt  }
0x4a: {  	_ =	shalt  }
0x4b: {  	_ =	shalt  }
0x4c: {  	_ =	shalt  }
0x4d: {  	_ =	shalt  }
0x4e: {  	_ =	shalt  }
0x4f: {  	_ =	shalt  }
0x50: {  	_ =	shalt  }
0x51: {  	_ =	shalt  }
0x52: {  	_ =	shalt  }
0x53: {  	_ =	shalt  }
0x54: {  	_ =	shalt  }
0x55: {  	_ =	shalt  }
0x56: {  	_ =	shalt  }
0x57: {  	_ =	shalt  }
0x58: {  	_ =	shalt  }
0x59: {  	_ =	shalt  }
0x5a: {  	_ =	shalt  }
0x5b: {  	_ =	shalt  }
0x5c: {  	_ =	shalt  }
0x5d: {  	_ =	shalt  }
0x5e: {  	_ =	shalt  }
0x5f: {  	_ =	shalt  }
0x60: {  	_ =	shalt  }
0x61: {  	_ =	shalt  }
0x62: {  	_ =	shalt  }
0x63: {  	_ =	shalt  }
0x64: {  	_ =	shalt  }
0x65: {  	_ =	shalt  }
0x66: {  	_ =	shalt  }
0x67: {  	_ =	shalt  }
0x68: {  	_ =	shalt  }
0x69: {  	_ =	shalt  }
0x6a: {  	_ =	shalt  }
0x6b: {  	_ =	shalt  }
0x6c: {  	_ =	shalt  }
0x6d: {  	_ =	shalt  }
0x6e: {  	_ =	shalt  }
0x6f: {  	_ =	shalt  }
0x70: {  	_ =	shalt  }
0x71: {  	_ =	shalt  }
0x72: {  	_ =	shalt  }
0x73: {  	_ =	shalt  }
0x74: {  	_ =	shalt  }
0x75: {  	_ =	shalt  }
0x76: {  	_ =	shalt  }
0x77: {  	_ =	shalt  }
0x78: {  	_ =	shalt  }
0x79: {  	_ =	shalt  }
0x7a: {  	_ =	shalt  }
0x7b: {  	_ =	shalt  }
0x7c: {  	_ =	shalt  }
0x7d: {  	_ =	shalt  }
0x7e: {  	_ =	shalt  }
0x7f: {  	_ =	shalt  }
0x80: {  	_ =	shalt  }
0x81: {  	_ =	shalt  }
0x82: {  	_ =	shalt  }
0x83: {  	_ =	shalt  }
0x84: {  	_ =	shalt  }
0x85: {  	_ =	shalt  }
0x86: {  	_ =	shalt  }
0x87: {  	_ =	shalt  }
.Lfunc_end0:
.L_simem_size_0:
called_computation_lowered:
.L_overlay_start_0:
0x88: {  	s2 =	sld [smem:$0x3FD9]  }
0x89: {  	s3 =	sld [smem:$0x3FFE];
	_ =	sdelay $0x1  }
0x8a: {  	s1 =	srdreg.scid  }
0x8b: {  	s0 =	sand.u32 $0x1, s1  }
0x8c: {  	s18 =	sshll.u32 s0, $0xA;
	s2 =	sadd.s32 s3, s2  }
0x8d: {  	s2 =	sadd.s32 s2, s18  }
0x8e: {  	[smem:$0x3FC6] =	sst s2  }
0x8f: {  	_ = 	snop  }
0x90: {  	s2 =	sld [smem:$0x3FC9]  }
0x91: {  	s19 =	sld [smem:$0x3FC8]  }
0x92: {  	s4 =	sld [smem:$0x3FD0];
	(tm) =	ssettm $0x1  }
0x93: {  	s5 =	sld [smem:$0x3FFB];
	_ =	sdelay $0x3  }
0x94: {  	_ =	strace s5  }
0x95: {  	s5 =	sld [smem:$0x3FFC];
	_ =	sdelay $0x3  }
0x96: {  	_ =	strace s5  }
0x97: {  	s5 =	sld [smem:$0x3FFD];
	_ =	sdelay $0x3  }
0x98: {  	_ =	strace s5  }
0x99: {  	_ =	strace $0x8FFFFFFF  }
0x9a: {  	s20 =	sld [smem:$0x3FDB];
	_ =	sdelay $0x1  }
0x9b: {  	s6 =	simm.s32 $_scs_section_size  }
0x9c: {  	s7 =	simm.s32 $_size__tile_overlayer_lowered;
	s8 =	simm.s32 $_tile_overlayer_lowered  }
0x9d: {  	s23 =	simm.s32 $0x1BFF;
	s22 =	sshll.u32 s8, $0x1;
	s5 =	sadd.s32 s6, s20  }
0x9e: {  	s9 =	simm.s32 $0x0;
	s21 =	sshll.u32 s7, $0x1;
	s7 =	sadd.s32 s22, s5  }
0x9f: {  	[timem:s9], [sflag:s23] =	dma.local [hbm:s7], s21  }
0xa0: {  	_ =	swait.ge [sflag:s23], s21  }
0xa1: {  	s6 =	ssub.s32 $0x0, s21;
	[sflag:s23] =	ssyncset.done $0x0  }
0xa2: {  	[sflag:s23] =	ssyncadd.s32 s6;
	_ =	sdelay $0x1  }
0xa3: {  	s24 =	simm.s32 $0x1B8B  }
0xa4: {  	_ =	swait.ge [sflag:s24], $0x1  }
0xa5: {  	[sflag:s24] =	ssyncset.done $0x0  }
0xa6: {  	s25 =	simm.s32 $0x1B8E;
	[sflag:s24] =	ssyncadd.s32 $0xFFFFFFFF  }
0xa7: {  	s26 =	simm.s32 $execute0_lowered;
	[smem:$0x3FD2] =	sst s25  }
0xa8: {  	s6 =	sshll.u32 s26, $0x1;
	_ =	strace $0x80000046;
	[dreg:$0x1] =	wrdreg $0xFFFFFFFF  }
0xa9: {  	s28 =	simm.s32 $_size_execute0_lowered;
	s5 =	sadd.s32 s5, s6;
	[dreg:$0x0] =	wrdreg $0x0  }
0xaa: {  	s6 =	sshll.u32 s28, $0x1;
	[dreg:$0x2] =	wrdreg s5  }
0xab: {  	[dreg:$0x3] =	wrdreg s6  }
0xac: {  	[dreg:$0x4] =	wrdreg $0xC0  }
0xad: {  	_ =	task [dreg:s9], $0x5FFFF  }
0xae: {  	[dreg:$0x1] =	wrdreg $0xFFFFFFFF  }
0xaf: {  	[dreg:$0x0] =	wrdreg $0x60  }
0xb0: {  	[dreg:$0x2] =	wrdreg s2  }
0xb1: {  	[dreg:$0x3] =	wrdreg s19  }
0xb2: {  	[dreg:$0x4] =	wrdreg s4  }
0xb3: {  	[dreg:$0x5] =	wrdreg $0x9  }
0xb4: {  	_ =	task.clear_ibuf [dreg:s9], $0x6FFFF;
	_ =	strace $0x90000046  }
0xb5: {  	s29 =	simm.s32 $0x9;
	_ =	strace $0x80000048  }
0xb6: {  	_ =	swait.ge [sflag:s29], $0x1  }
0xb7: {  	[sflag:s29] =	ssyncadd.s32 $0xFFFFFFFF  }
0xb8: {  	_ =	strace $0x90000048  }
0xb9: {  	_ =	sfence  }
0xba: {  	s30 =	sld [smem:$0x0];
	_ =	sdelay $0x2  }
0xbb: {  	s31 =	sshll.u32 s1, $0xD;
	s1 =	sshrl.u32 s1, $0x2  }
0xbc: {  	s3 =	sand.u32 $0x4000, s31;
	s1 =	sadd.s32 s1, s30  }
0xbd: {  	s0 =	sor.u32 s3, s0;
	s1 =	sshll.u32 s1, $0x11  }
0xbe: {  	s0 =	sor.u32 s1, s0  }
0xbf: {  	s0 =	sadd.s32 $0x8F2B, s0  }
0xc0: {  	[sflag:s0] =	ssyncadd.remote.s32 $0x1  }
0xc1: {  	_ =	sfence.sel $0xFFFF  }
0xc2: {  	[dreg:$0x0] =	wrdreg $0xFFFFFFFF;
	(pc) =	sbr.abs _section_cstart, $3  }
0xc3: {  	[dreg:$0x1] =	wrdreg $0xFFFFFFFF  }
0xc4: {  	_ =	task.clear_ibuf [dreg:s9], $0x2FFFF;
	_ =	strace $0x9FFFFFFF  }
0xc5: {  	(tm) =	ssettm $0x7FFFFFFF  }
tec
execute0_lowered:
.L_overlay_start_1:
0x0: {  	(tag) =	ssettag $0x1  }
0x1: {  	s0 =	rddreg [dreg:$0x0]  }
0x2: {  	s1 =	srdreg.scid;
	s2 =	rddreg [dreg:$0x1]  }
0x3: {  	s9 =	stileid.u32;
	s4 =	rddreg [dreg:$0x2]  }
0x4: {  	s16 =	simm.s32 $0x68;
	s29 =	simm.s32 $0x14500;
	s31 =	simm.s32 $0x17900  }
0x5: {  	s28 =	simm.s32 $0x4;
	s30 =	simm.s32 $0xC;
	s10 =	simm.s32 $0x8  }
0x6: {  	s11 =	simm.s32 $0x10;
	s1 =	sand.u32 $0x1, s1;
	s3 =	sshll.u32 s9, $0x1  }
0x7: {  	s13 =	simm.s32 $0x0;
	s18 =	smul.u32 $0x1A000, s9;
	s5 =	sor.u32 s1, s3  }
0x8: {  	s3 =	simm.s32 $0x0;
	s7 =	ssub.s32 $0x2, s1;
	s6 =	smul.u32 $0x68000, s5  }
0x9: {  	[smem:$0x7FF] =	sst s3;
	s5 =	smul.u32 $0xD00, s5;
	s8 =	sshrl.u32 s7, $0x1  }
0xa: {  	s9 =	simm.s32 $0xF;
	_ =	strace $0x80000047;
	s7 =	ssub.s32 s7, s8  }
0xb: {  	s6 =	sshrl.u32 s6, $0x3;
	s5 =	sshrl.u32 s5, $0x3;
	s26 =	smax.u32 s7, $0x1  }
0xc: {  	s6 =	sadd.s32 s4, s6;
	s0 =	sadd.s32 s0, s5;
	[dreg:$0xd] =	wrdreg s26  }
0xd: {  	s1 =	smul.u32 $0xD000, s1;
	[dreg:$0x4] =	wrdreg s0;
	s17 =	sadd.s32 $0x9C00, s6  }
0xe: {  	s8 =	simm.s32 $0x7;
	s19 =	sadd.s32 $0xA280, s6;
	[dreg:$0x5] =	wrdreg s17  }
0xf: {  	s7 =	simm.s32 $0xE;
	s20 =	sadd.s32 $0xA900, s6;
	[dreg:$0x6] =	wrdreg s19  }
0x10: {  	s26 =	simm.s32 $0x11100;
	s21 =	sadd.s32 $0xAF80, s6;
	[dreg:$0x7] =	wrdreg s20  }
0x11: {  	s5 =	simm.s32 $0xD;
	s22 =	sadd.s32 $0xB600, s6;
	[dreg:$0x8] =	wrdreg s21  }
0x12: {  	s0 =	sadd.s32 s18, s4;
	s23 =	sadd.s32 $0xBC80, s6;
	[dreg:$0x9] =	wrdreg s22  }
0x13: {  	s24 =	sadd.s32 $0xC300, s6;
	s25 =	sadd.s32 $0xC980, s6;
	[dreg:$0xa] =	wrdreg s23  }
0x14: {  	s18 =	simm.s32 $0x4100;
	s4 =	simm.s32 $0x5;
	[dreg:$0xb] =	wrdreg s24  }
0x15: {  	s6 =	simm.s32 $0x6;
	s0 =	sadd.s32 s1, s0;
	[dreg:$0xc] =	wrdreg s25  }
0x16: {  	s17 =	simm.s32 $0xD00;
	s20 =	simm.s32 $0x7500;
	s22 =	simm.s32 $0xA900  }
0x17: {  	s24 =	simm.s32 $0xDD00;
	s1 =	simm.s32 $0x1;
	s19 =	simm.s32 $0x2  }
0x18: {  	s21 =	simm.s32 $0xA;
	s23 =	simm.s32 $0x3;
	s0 =	sadd.s32 $0x2D80, s0  }
0x19: {  	s25 =	simm.s32 $0xB;
	[dreg:$0xe] =	wrdreg s0;
	s0 =	simm.s32 $0x9  }
.LBB2_1:
0x1a: {  	[dreg:$0xf] =	wrdreg s13  }
0x1b: {  	s12 =	rddreg [dreg:$0x4];
	s15 =	simm.s32 $0x11  }
0x1c: {  	[tilespmem:s3], [sflag:$0x11] =	stream.linear.gather [hbm4b:s12+s3], $0xD00, $0x38;
	[tilespmem:$0x1AD00] =	vst v63  }
0x1d: {  	_ =	swait.ge [sflag:s15], $0xD00  }
0x1e: {  	[sflag:s15] =	ssyncset.done $0x0  }
0x1f: {  	[sflag:s15] =	ssyncadd.s32 $0xFFFFF300  }
0x20: {  	[tilespmem:s17], [sflag:$0x1] =	stream.indirect.gather [hbm4b:s2+s16], $0x80, s3, s16, $0xb8;
	[tilespmem:$0x1AD00] =	vst v63  }
0x21: {  	_ = 	snop  }
0x22: {  	[tilespmem:s18], [sflag:$0x2] =	stream.indirect.gather [hbm4b:s2+s16], $0x80, s16, s16, $0xb8;
	[tilespmem:$0x1AD00] =	vst v63  }
0x23: {  	s13 =	simm.s32 $0xD0  }
0x24: {  	[tilespmem:s20], [sflag:$0x3] =	stream.indirect.gather [hbm4b:s2+s16], $0x80, s13, s16, $0xb8;
	[tilespmem:$0x1AD00] =	vst v63  }
0x25: {  	s14 =	simm.s32 $0x138  }
0x26: {  	[tilespmem:s22], [sflag:$0x4] =	stream.indirect.gather [hbm4b:s2+s16], $0x80, s14, s16, $0xb8;
	[tilespmem:$0x1AD00] =	vst v63  }
0x27: {  	s15 =	simm.s32 $0x1A0  }
0x28: {  	[tilespmem:s24], [sflag:$0x5] =	stream.indirect.gather [hbm4b:s2+s16], $0x80, s15, s16, $0xb8;
	[tilespmem:$0x1AD00] =	vst v63  }
0x29: {  	s13 =	simm.s32 $0x208  }
0x2a: {  	[tilespmem:s26], [sflag:$0x6] =	stream.indirect.gather [hbm4b:s2+s16], $0x80, s13, s16, $0xb8;
	[tilespmem:$0x1AD00] =	vst v63  }
0x2b: {  	s14 =	simm.s32 $0x270  }
0x2c: {  	[tilespmem:s29], [sflag:$0x7] =	stream.indirect.gather [hbm4b:s2+s16], $0x80, s14, s16, $0xb8;
	[tilespmem:$0x1AD00] =	vst v63  }
0x2d: {  	s15 =	simm.s32 $0x2D8  }
0x2e: {  	[tilespmem:s31], [sflag:$0x8] =	stream.indirect.gather [hbm4b:s2+s16], $0x80, s15, s16, $0xb8;
	[tilespmem:$0x1AD00] =	vst v63  }
0x2f: {  	_ =	swait.ge [sflag:s1], $0x3400  }
0x30: {  	[sflag:s1] =	ssyncset.done $0x0;
	s14 =	rddreg [dreg:$0xe]  }
0x31: {  	[sflag:s1] =	ssyncadd.s32 $0xFFFFCC00;
	s13 =	sadd.s32 $0xFFFFD280, s14  }
0x32: {  	[hbm4b:s13+s3] =	stream.linear.scatter [tilespmem:s17], [sflag:$0x9], $0x3400, $0x38;
	[tilespmem:$0x1AD00] =	vst v63  }
0x33: {  	_ =	swait.ge [sflag:s0], $0x3400  }
0x34: {  	[sflag:s0] =	ssyncset.done $0x0  }
0x35: {  	s15 =	simm.s32 $0x340;
	[sflag:s0] =	ssyncadd.s32 $0xFFFFCC00  }
0x36: {  	[tilespmem:s17], [sflag:$0x1] =	stream.indirect.gather [hbm4b:s2+s16], $0x80, s15, s16, $0xb8;
	[tilespmem:$0x1AD00] =	vst v63  }
0x37: {  	_ =	swait.ge [sflag:s19], $0x3400  }
0x38: {  	[sflag:s19] =	ssyncset.done $0x0  }
0x39: {  	s13 =	sadd.s32 $0xFFFFD900, s14;
	[sflag:s19] =	ssyncadd.s32 $0xFFFFCC00  }
0x3a: {  	[hbm4b:s13+s3] =	stream.linear.scatter [tilespmem:s18], [sflag:$0xA], $0x3400, $0x38;
	[tilespmem:$0x1AD00] =	vst v63  }
0x3b: {  	_ =	swait.ge [sflag:s21], $0x3400  }
0x3c: {  	[sflag:s21] =	ssyncset.done $0x0  }
0x3d: {  	s15 =	simm.s32 $0x3A8;
	[sflag:s21] =	ssyncadd.s32 $0xFFFFCC00  }
0x3e: {  	[tilespmem:s18], [sflag:$0x2] =	stream.indirect.gather [hbm4b:s2+s16], $0x80, s15, s16, $0xb8;
	[tilespmem:$0x1AD00] =	vst v63  }
0x3f: {  	_ =	swait.ge [sflag:s23], $0x3400  }
0x40: {  	[sflag:s23] =	ssyncset.done $0x0  }
0x41: {  	s13 =	sadd.s32 $0xFFFFDF80, s14;
	[sflag:s23] =	ssyncadd.s32 $0xFFFFCC00  }
0x42: {  	[hbm4b:s13+s3] =	stream.linear.scatter [tilespmem:s20], [sflag:$0xB], $0x3400, $0x38;
	[tilespmem:$0x1AD00] =	vst v63  }
0x43: {  	_ =	swait.ge [sflag:s25], $0x3400  }
0x44: {  	[sflag:s25] =	ssyncset.done $0x0  }
0x45: {  	s15 =	simm.s32 $0x410;
	[sflag:s25] =	ssyncadd.s32 $0xFFFFCC00  }
0x46: {  	[tilespmem:s20], [sflag:$0x3] =	stream.indirect.gather [hbm4b:s2+s16], $0x80, s15, s16, $0xb8;
	[tilespmem:$0x1AD00] =	vst v63  }
0x47: {  	_ =	swait.ge [sflag:s28], $0x3400  }
0x48: {  	[sflag:s28] =	ssyncset.done $0x0  }
0x49: {  	s13 =	sadd.s32 $0xFFFFE600, s14;
	[sflag:s28] =	ssyncadd.s32 $0xFFFFCC00  }
0x4a: {  	[hbm4b:s13+s3] =	stream.linear.scatter [tilespmem:s22], [sflag:$0xC], $0x3400, $0x38;
	[tilespmem:$0x1AD00] =	vst v63  }
0x4b: {  	_ =	swait.ge [sflag:s30], $0x3400  }
0x4c: {  	[sflag:s30] =	ssyncset.done $0x0  }
0x4d: {  	s15 =	simm.s32 $0x478;
	[sflag:s30] =	ssyncadd.s32 $0xFFFFCC00  }
0x4e: {  	[tilespmem:s22], [sflag:$0x4] =	stream.indirect.gather [hbm4b:s2+s16], $0x80, s15, s16, $0xb8;
	[tilespmem:$0x1AD00] =	vst v63  }
0x4f: {  	_ =	swait.ge [sflag:s4], $0x3400  }
0x50: {  	[sflag:s4] =	ssyncset.done $0x0  }
0x51: {  	s13 =	sadd.s32 $0xFFFFEC80, s14;
	[sflag:s4] =	ssyncadd.s32 $0xFFFFCC00  }
0x52: {  	[hbm4b:s13+s3] =	stream.linear.scatter [tilespmem:s24], [sflag:$0xD], $0x3400, $0x38;
	[tilespmem:$0x1AD00] =	vst v63  }
0x53: {  	_ =	swait.ge [sflag:s5], $0x3400  }
0x54: {  	[sflag:s5] =	ssyncset.done $0x0  }
0x55: {  	s15 =	simm.s32 $0x4E0;
	[sflag:s5] =	ssyncadd.s32 $0xFFFFCC00  }
0x56: {  	[tilespmem:s24], [sflag:$0x5] =	stream.indirect.gather [hbm4b:s2+s16], $0x80, s15, s16, $0xb8;
	[tilespmem:$0x1AD00] =	vst v63  }
0x57: {  	_ =	swait.ge [sflag:s6], $0x3400  }
0x58: {  	[sflag:s6] =	ssyncset.done $0x0  }
0x59: {  	s13 =	sadd.s32 $0xFFFFF300, s14;
	[sflag:s6] =	ssyncadd.s32 $0xFFFFCC00  }
0x5a: {  	[hbm4b:s13+s3] =	stream.linear.scatter [tilespmem:s26], [sflag:$0xE], $0x3400, $0x38;
	[tilespmem:$0x1AD00] =	vst v63  }
0x5b: {  	_ =	swait.ge [sflag:s7], $0x3400  }
0x5c: {  	[sflag:s7] =	ssyncset.done $0x0  }
0x5d: {  	s15 =	simm.s32 $0x548;
	[sflag:s7] =	ssyncadd.s32 $0xFFFFCC00  }
0x5e: {  	[tilespmem:s26], [sflag:$0x6] =	stream.indirect.gather [hbm4b:s2+s16], $0x80, s15, s16, $0xb8;
	[tilespmem:$0x1AD00] =	vst v63  }
0x5f: {  	_ =	swait.ge [sflag:s8], $0x3400  }
0x60: {  	[sflag:s8] =	ssyncset.done $0x0  }
0x61: {  	s13 =	sadd.s32 $0xFFFFF980, s14;
	[sflag:s8] =	ssyncadd.s32 $0xFFFFCC00  }
0x62: {  	[hbm4b:s13+s3] =	stream.linear.scatter [tilespmem:s29], [sflag:$0xF], $0x3400, $0x38;
	[tilespmem:$0x1AD00] =	vst v63  }
0x63: {  	_ =	swait.ge [sflag:s9], $0x3400  }
0x64: {  	[sflag:s9] =	ssyncset.done $0x0  }
0x65: {  	s15 =	simm.s32 $0x5B0;
	[sflag:s9] =	ssyncadd.s32 $0xFFFFCC00  }
0x66: {  	[tilespmem:s29], [sflag:$0x7] =	stream.indirect.gather [hbm4b:s2+s16], $0x80, s15, s16, $0xb8;
	[tilespmem:$0x1AD00] =	vst v63  }
0x67: {  	_ =	swait.ge [sflag:s10], $0x3400  }
0x68: {  	[sflag:s10] =	ssyncset.done $0x0  }
0x69: {  	[sflag:s10] =	ssyncadd.s32 $0xFFFFCC00  }
0x6a: {  	[hbm4b:s14+s3] =	stream.linear.scatter [tilespmem:s31], [sflag:$0x10], $0x3400, $0x38;
	[tilespmem:$0x1AD00] =	vst v63  }
0x6b: {  	_ =	swait.ge [sflag:s11], $0x3400  }
0x6c: {  	s12 =	simm.s32 $0x618;
	[sflag:s11] =	ssyncset.done $0x0  }
0x6d: {  	s13 =	simm.s32 $0xD00;
	s15 =	sadd.s32 $0x3400, s14;
	[sflag:s11] =	ssyncadd.s32 $0xFFFFCC00  }
.LBB2_2:
0x6e: {  	[tilespmem:s31], [sflag:$0x8] =	stream.indirect.gather [hbm4b:s2+s16], $0x80, s12, s16, $0xb8;
	[tilespmem:$0x1AD00] =	vst v63  }
0x6f: {  	s12 =	smov.u32 s13  }
0x70: {  	p0 =	sne.s32 s13, $0x1A00;
	s13 =	sadd.s32 $0xD00, s13;
	_ =	swait.ge [sflag:s1], $0x3400  }
0x71: {  	[sflag:s1] =	ssyncset.done $0x0  }
0x72: {  	s14 =	sadd.s32 $0xFFFFD280, s15;
	[sflag:s1] =	ssyncadd.s32 $0xFFFFCC00  }
0x73: {  	[hbm4b:s14+s3] =	stream.linear.scatter [tilespmem:s17], [sflag:$0x9], $0x3400, $0x38;
	[tilespmem:$0x1AD00] =	vst v63  }
0x74: {  	_ =	swait.ge [sflag:s0], $0x3400  }
0x75: {  	s12 =	sshra.s32 s12, $0x2;
	[sflag:s0] =	ssyncset.done $0x0  }
0x76: {  	s14 =	sadd.s32 $0x340, s12;
	[sflag:s0] =	ssyncadd.s32 $0xFFFFCC00  }
0x77: {  	[tilespmem:s17], [sflag:$0x1] =	stream.indirect.gather [hbm4b:s2+s16], $0x80, s14, s16, $0xb8;
	[tilespmem:$0x1AD00] =	vst v63  }
0x78: {  	_ =	swait.ge [sflag:s19], $0x3400  }
0x79: {  	[sflag:s19] =	ssyncset.done $0x0  }
0x7a: {  	s14 =	sadd.s32 $0xFFFFD900, s15;
	[sflag:s19] =	ssyncadd.s32 $0xFFFFCC00  }
0x7b: {  	[hbm4b:s14+s3] =	stream.linear.scatter [tilespmem:s18], [sflag:$0xA], $0x3400, $0x38;
	[tilespmem:$0x1AD00] =	vst v63  }
0x7c: {  	_ =	swait.ge [sflag:s21], $0x3400  }
0x7d: {  	[sflag:s21] =	ssyncset.done $0x0  }
0x7e: {  	s14 =	sadd.s32 $0x3A8, s12;
	[sflag:s21] =	ssyncadd.s32 $0xFFFFCC00  }
0x7f: {  	[tilespmem:s18], [sflag:$0x2] =	stream.indirect.gather [hbm4b:s2+s16], $0x80, s14, s16, $0xb8;
	[tilespmem:$0x1AD00] =	vst v63  }
0x80: {  	_ =	swait.ge [sflag:s23], $0x3400  }
0x81: {  	[sflag:s23] =	ssyncset.done $0x0  }
0x82: {  	s14 =	sadd.s32 $0xFFFFDF80, s15;
	[sflag:s23] =	ssyncadd.s32 $0xFFFFCC00  }
0x83: {  	[hbm4b:s14+s3] =	stream.linear.scatter [tilespmem:s20], [sflag:$0xB], $0x3400, $0x38;
	[tilespmem:$0x1AD00] =	vst v63  }
0x84: {  	_ =	swait.ge [sflag:s25], $0x3400  }
0x85: {  	[sflag:s25] =	ssyncset.done $0x0  }
0x86: {  	s14 =	sadd.s32 $0x410, s12;
	[sflag:s25] =	ssyncadd.s32 $0xFFFFCC00  }
0x87: {  	[tilespmem:s20], [sflag:$0x3] =	stream.indirect.gather [hbm4b:s2+s16], $0x80, s14, s16, $0xb8;
	[tilespmem:$0x1AD00] =	vst v63  }
0x88: {  	_ =	swait.ge [sflag:s28], $0x3400  }
0x89: {  	[sflag:s28] =	ssyncset.done $0x0  }
0x8a: {  	s14 =	sadd.s32 $0xFFFFE600, s15;
	[sflag:s28] =	ssyncadd.s32 $0xFFFFCC00  }
0x8b: {  	[hbm4b:s14+s3] =	stream.linear.scatter [tilespmem:s22], [sflag:$0xC], $0x3400, $0x38;
	[tilespmem:$0x1AD00] =	vst v63  }
0x8c: {  	_ =	swait.ge [sflag:s30], $0x3400  }
0x8d: {  	[sflag:s30] =	ssyncset.done $0x0  }
0x8e: {  	s14 =	sadd.s32 $0x478, s12;
	[sflag:s30] =	ssyncadd.s32 $0xFFFFCC00  }
0x8f: {  	[tilespmem:s22], [sflag:$0x4] =	stream.indirect.gather [hbm4b:s2+s16], $0x80, s14, s16, $0xb8;
	[tilespmem:$0x1AD00] =	vst v63  }
0x90: {  	_ =	swait.ge [sflag:s4], $0x3400  }
0x91: {  	[sflag:s4] =	ssyncset.done $0x0  }
0x92: {  	s14 =	sadd.s32 $0xFFFFEC80, s15;
	[sflag:s4] =	ssyncadd.s32 $0xFFFFCC00  }
0x93: {  	[hbm4b:s14+s3] =	stream.linear.scatter [tilespmem:s24], [sflag:$0xD], $0x3400, $0x38;
	[tilespmem:$0x1AD00] =	vst v63  }
0x94: {  	_ =	swait.ge [sflag:s5], $0x3400  }
0x95: {  	[sflag:s5] =	ssyncset.done $0x0  }
0x96: {  	s14 =	sadd.s32 $0x4E0, s12;
	[sflag:s5] =	ssyncadd.s32 $0xFFFFCC00  }
0x97: {  	[tilespmem:s24], [sflag:$0x5] =	stream.indirect.gather [hbm4b:s2+s16], $0x80, s14, s16, $0xb8;
	[tilespmem:$0x1AD00] =	vst v63  }
0x98: {  	_ =	swait.ge [sflag:s6], $0x3400  }
0x99: {  	[sflag:s6] =	ssyncset.done $0x0  }
0x9a: {  	s14 =	sadd.s32 $0xFFFFF300, s15;
	[sflag:s6] =	ssyncadd.s32 $0xFFFFCC00  }
0x9b: {  	[hbm4b:s14+s3] =	stream.linear.scatter [tilespmem:s26], [sflag:$0xE], $0x3400, $0x38;
	[tilespmem:$0x1AD00] =	vst v63  }
0x9c: {  	_ =	swait.ge [sflag:s7], $0x3400  }
0x9d: {  	[sflag:s7] =	ssyncset.done $0x0  }
0x9e: {  	s14 =	sadd.s32 $0x548, s12;
	[sflag:s7] =	ssyncadd.s32 $0xFFFFCC00  }
0x9f: {  	[tilespmem:s26], [sflag:$0x6] =	stream.indirect.gather [hbm4b:s2+s16], $0x80, s14, s16, $0xb8;
	[tilespmem:$0x1AD00] =	vst v63  }
0xa0: {  	_ =	swait.ge [sflag:s8], $0x3400  }
0xa1: {  	[sflag:s8] =	ssyncset.done $0x0  }
0xa2: {  	s14 =	sadd.s32 $0xFFFFF980, s15;
	[sflag:s8] =	ssyncadd.s32 $0xFFFFCC00  }
0xa3: {  	[hbm4b:s14+s3] =	stream.linear.scatter [tilespmem:s29], [sflag:$0xF], $0x3400, $0x38;
	[tilespmem:$0x1AD00] =	vst v63  }
0xa4: {  	_ =	swait.ge [sflag:s9], $0x3400  }
0xa5: {  	[sflag:s9] =	ssyncset.done $0x0  }
0xa6: {  	s14 =	sadd.s32 $0x5B0, s12;
	[sflag:s9] =	ssyncadd.s32 $0xFFFFCC00  }
0xa7: {  	[tilespmem:s29], [sflag:$0x7] =	stream.indirect.gather [hbm4b:s2+s16], $0x80, s14, s16, $0xb8;
	[tilespmem:$0x1AD00] =	vst v63  }
0xa8: {  	_ =	swait.ge [sflag:s10], $0x3400  }
0xa9: {  	[sflag:s10] =	ssyncset.done $0x0  }
.Ltmp0:
0xaa: {  	[sflag:s10] =	ssyncadd.s32 $0xFFFFCC00;
	(pc) =	sbr.rel @p0 .LBB2_2-.Ltmp0, $4  }
0xab: {  	[hbm4b:s15+s3] =	stream.linear.scatter [tilespmem:s31], [sflag:$0x10], $0x3400, $0x38;
	[tilespmem:$0x1AD00] =	vst v63  }
0xac: {  	_ =	swait.ge [sflag:s11], $0x3400  }
0xad: {  	[sflag:s11] =	ssyncset.done $0x0  }
0xae: {  	s12 =	sadd.s32 $0x618, s12;
	s15 =	sadd.s32 $0x3400, s15;
	[sflag:s11] =	ssyncadd.s32 $0xFFFFCC00  }
0xaf: {  	[tilespmem:s31], [sflag:$0x8] =	stream.indirect.gather [hbm4b:s2+s16], $0x80, s12, s16, $0xb8;
	[tilespmem:$0x1AD00] =	vst v63  }
0xb0: {  	_ =	swait.ge [sflag:s1], $0x3400  }
0xb1: {  	[sflag:s1] =	ssyncset.done $0x0  }
0xb2: {  	s13 =	rddreg [dreg:$0x5];
	[sflag:s1] =	ssyncadd.s32 $0xFFFFCC00  }
0xb3: {  	[hbm4b:s13+s3] =	stream.linear.scatter [tilespmem:s17], [sflag:$0x9], $0x3400, $0x38;
	[tilespmem:$0x1AD00] =	vst v63  }
0xb4: {  	_ =	swait.ge [sflag:s0], $0x3400  }
0xb5: {  	[sflag:s0] =	ssyncset.done $0x0  }
0xb6: {  	[sflag:s0] =	ssyncadd.s32 $0xFFFFCC00  }
0xb7: {  	_ =	swait.ge [sflag:s19], $0x3400  }
0xb8: {  	[sflag:s19] =	ssyncset.done $0x0  }
0xb9: {  	s14 =	rddreg [dreg:$0x6];
	[sflag:s19] =	ssyncadd.s32 $0xFFFFCC00  }
0xba: {  	[hbm4b:s14+s3] =	stream.linear.scatter [tilespmem:s18], [sflag:$0xA], $0x3400, $0x38;
	[tilespmem:$0x1AD00] =	vst v63  }
0xbb: {  	_ =	swait.ge [sflag:s21], $0x3400  }
0xbc: {  	[sflag:s21] =	ssyncset.done $0x0  }
0xbd: {  	[sflag:s21] =	ssyncadd.s32 $0xFFFFCC00  }
0xbe: {  	_ =	swait.ge [sflag:s23], $0x3400  }
0xbf: {  	[sflag:s23] =	ssyncset.done $0x0  }
0xc0: {  	s15 =	rddreg [dreg:$0x7];
	[sflag:s23] =	ssyncadd.s32 $0xFFFFCC00  }
0xc1: {  	[hbm4b:s15+s3] =	stream.linear.scatter [tilespmem:s20], [sflag:$0xB], $0x3400, $0x38;
	[tilespmem:$0x1AD00] =	vst v63  }
0xc2: {  	_ =	swait.ge [sflag:s25], $0x3400  }
0xc3: {  	[sflag:s25] =	ssyncset.done $0x0  }
0xc4: {  	[sflag:s25] =	ssyncadd.s32 $0xFFFFCC00  }
0xc5: {  	_ =	swait.ge [sflag:s28], $0x3400  }
0xc6: {  	[sflag:s28] =	ssyncset.done $0x0  }
0xc7: {  	s13 =	rddreg [dreg:$0x8];
	[sflag:s28] =	ssyncadd.s32 $0xFFFFCC00  }
0xc8: {  	[hbm4b:s13+s3] =	stream.linear.scatter [tilespmem:s22], [sflag:$0xC], $0x3400, $0x38;
	[tilespmem:$0x1AD00] =	vst v63  }
0xc9: {  	_ =	swait.ge [sflag:s30], $0x3400  }
0xca: {  	[sflag:s30] =	ssyncset.done $0x0  }
0xcb: {  	[sflag:s30] =	ssyncadd.s32 $0xFFFFCC00  }
0xcc: {  	_ =	swait.ge [sflag:s4], $0x3400  }
0xcd: {  	[sflag:s4] =	ssyncset.done $0x0  }
0xce: {  	s14 =	rddreg [dreg:$0x9];
	[sflag:s4] =	ssyncadd.s32 $0xFFFFCC00  }
0xcf: {  	[hbm4b:s14+s3] =	stream.linear.scatter [tilespmem:s24], [sflag:$0xD], $0x3400, $0x38;
	[tilespmem:$0x1AD00] =	vst v63  }
0xd0: {  	_ =	swait.ge [sflag:s5], $0x3400  }
0xd1: {  	[sflag:s5] =	ssyncset.done $0x0  }
0xd2: {  	[sflag:s5] =	ssyncadd.s32 $0xFFFFCC00  }
0xd3: {  	_ =	swait.ge [sflag:s6], $0x3400  }
0xd4: {  	[sflag:s6] =	ssyncset.done $0x0  }
0xd5: {  	s15 =	rddreg [dreg:$0xa];
	[sflag:s6] =	ssyncadd.s32 $0xFFFFCC00  }
0xd6: {  	[hbm4b:s15+s3] =	stream.linear.scatter [tilespmem:s26], [sflag:$0xE], $0x3400, $0x38;
	[tilespmem:$0x1AD00] =	vst v63  }
0xd7: {  	_ =	swait.ge [sflag:s7], $0x3400  }
0xd8: {  	[sflag:s7] =	ssyncset.done $0x0  }
0xd9: {  	[sflag:s7] =	ssyncadd.s32 $0xFFFFCC00  }
0xda: {  	_ =	swait.ge [sflag:s8], $0x3400  }
0xdb: {  	[sflag:s8] =	ssyncset.done $0x0  }
0xdc: {  	s13 =	rddreg [dreg:$0xb];
	[sflag:s8] =	ssyncadd.s32 $0xFFFFCC00  }
0xdd: {  	[hbm4b:s13+s3] =	stream.linear.scatter [tilespmem:s29], [sflag:$0xF], $0x3400, $0x38;
	[tilespmem:$0x1AD00] =	vst v63  }
0xde: {  	_ =	swait.ge [sflag:s9], $0x3400  }
0xdf: {  	[sflag:s9] =	ssyncset.done $0x0  }
0xe0: {  	[sflag:s9] =	ssyncadd.s32 $0xFFFFCC00  }
0xe1: {  	_ =	swait.ge [sflag:s10], $0x3400  }
0xe2: {  	[sflag:s10] =	ssyncset.done $0x0  }
0xe3: {  	s14 =	rddreg [dreg:$0xc];
	[sflag:s10] =	ssyncadd.s32 $0xFFFFCC00  }
0xe4: {  	[hbm4b:s14+s3] =	stream.linear.scatter [tilespmem:s31], [sflag:$0x10], $0x3400, $0x38;
	[tilespmem:$0x1AD00] =	vst v63  }
0xe5: {  	_ =	swait.ge [sflag:s11], $0x3400  }
0xe6: {  	s13 =	rddreg [dreg:$0xf]  }
0xe7: {  	s15 =	rddreg [dreg:$0xd];
	s13 =	sadd.s32 $0x1, s13  }
0xe8: {  	p0 =	sne.s32 s13, s15  }
.Ltmp1:
0xe9: {  	_ = 	snop;
	(pc) =	sbr.rel @p0 .LBB2_1-.Ltmp1, $3  }
0xea: {  	_ =	sdelay $0x1  }
0xeb: {  	[sflag:s11] =	ssyncset.done $0x0  }
0xec: {  	[sflag:s11] =	ssyncadd.s32 $0xFFFFCC00  }
0xed: {  	_ =	sfence.sel $0x180000  }
0xee: {  	[bflag:$0x0] =	sbarrier.arrive $0xFFFF  }
0xef: {  	_ =	strace $0x90000047  }
0xf0: {  	s0 =	stileid.u32;
	[bflag:$0x2] =	sbarrier.arrive $0xFFFF  }
0xf1: {  	p0 =	sne.s32 s0, $0x0;
	s0 =	rddreg [dreg:$0x3]  }
0xf2: {  	s0 =	sadd.s32 @!p0 $0x100000, s0  }
0xf3: {  	[sflag:s0] =	ssyncadd.tile.s32 @!p0 $0x1;
	_ =	shalt  }
.Lfunc_end2:
_tile_overlayer_lowered:
.L_overlay_start_2:
0xf4: {  	(tag) =	ssettag $0x2  }
0xf5: {  	s0 =	rddreg [dreg:$0x0];
	s2 =	stileid.u32  }
0xf6: {  	s1 =	rddreg [dreg:$0x1];
	p0 =	sne.s32 s2, $0x0  }
0xf7: {  	s3 =	rddreg [dreg:$0x2];
	[bflag:$0x3] =	sbarrier.arrive $0xFFFF;
	s2 =	simm.s32 @!p0 $0x1C11  }
0xf8: {  	[timem:s3], [sflag:s2] =	dma.local @!p0 [hbm:s0], s1  }
0xf9: {  	s0 =	simm.s32 @!p0 $0x11  }
0xfa: {  	_ =	swait.ge @!p0 [sflag:s0], s1  }
0xfb: {  	s1 =	ssub.s32 @!p0 $0x0, s1;
	[sflag:s0] =	ssyncset.done @!p0 $0x0  }
0xfc: {  	[sflag:s0] =	ssyncadd.s32 @!p0 s1  }
0xfd: {  	[bflag:$0x3] =	sbarrier.arrive $0xFFFF  }
0xfe: {  	_ =	shalt  }

</sc_bundles>
